<compile_context>
chip_gen: v7x
topology: tpu7x:2x2x1
jax: 0.10.2.dev20260603
libtpu: 0.0.44.dev20260713+nightly
codegen_flags: <defaults>
</compile_context>

<pallas_src>
import functools

import jax
import jax.numpy as jnp
from jax import lax
from jax.experimental import pallas as pl
from jax.experimental.pallas import tpu as pltpu
from jax.experimental.pallas import tpu_sc as plsc

T = 2048
D = 1024
E = 8
K = 2
DFF = 512
DFF_S = 1024

BT = 512
NB = (T * K) // BT + E - 1
P_X = NB * BT
P_Y = (NB + 1) * BT
BTD = 256
NBD = T // BTD

NC = 2
NS = 16
NW = NC * NS
A_BPW = (T * K) // NW
CH = 128

D2 = D // 2

_NT = (((1,), (1,)), ((), ()))


def _pack_bf16(v):
    vb = v.astype(jnp.bfloat16)
    n = vb.shape[1] // 2
    lo = lax.bitcast_convert_type(vb[:, :n], jnp.int16).astype(jnp.int32) & 0xFFFF
    hi = lax.bitcast_convert_type(vb[:, n:], jnp.int16).astype(jnp.int32)
    return (hi << 16) | lo


def _unpack_bf16(p):
    lo = lax.bitcast_convert_type(p.astype(jnp.int16), jnp.bfloat16)
    hi = lax.bitcast_convert_type(
        lax.shift_right_logical(p, 16).astype(jnp.int16), jnp.bfloat16)
    return jnp.concatenate([lo, hi], axis=1)


def _router_body(x_ref, wg_ref, pos_ref, w1_ref, w2_ref, xb16_ref, meta_ref):
    x = x_ref[...]
    xb16_ref[...] = _pack_bf16(x)
    wg = wg_ref[...]
    logits = lax.dot_general(x, wg, _NT, preferred_element_type=jnp.float32)
    m = jnp.max(logits, axis=1, keepdims=True)
    ex = jnp.exp(logits - m)
    scores = ex / jnp.sum(ex, axis=1, keepdims=True)
    iota = lax.broadcasted_iota(jnp.int32, (T, E), 1)
    m1 = jnp.max(scores, axis=1, keepdims=True)
    i1 = jnp.min(jnp.where(scores == m1, iota, E), axis=1, keepdims=True)
    s2 = jnp.where(iota == i1, -jnp.inf, scores)
    m2 = jnp.max(s2, axis=1, keepdims=True)
    i2 = jnp.min(jnp.where(s2 == m2, iota, E), axis=1, keepdims=True)
    den = m1 + m2
    w1_ref[...] = m1 / den
    w2_ref[...] = m2 / den

    oh1 = (iota == i1).astype(jnp.float32)
    oh2 = (iota == i2).astype(jnp.float32)
    ohs = oh1 + oh2
    cb = 128
    ri = lax.broadcasted_iota(jnp.int32, (cb, cb), 0)
    ci = lax.broadcasted_iota(jnp.int32, (cb, cb), 1)
    tri = (ci < ri).astype(jnp.float32)
    parts = []
    run = jnp.zeros((1, E), jnp.float32)
    for gi in range(T // cb):
        xg = ohs[gi * cb:(gi + 1) * cb]
        sg = lax.dot_general(tri, xg, (((1,), (0,)), ((), ())),
                             preferred_element_type=jnp.float32) + run
        run = run + jnp.sum(xg, axis=0, keepdims=True)
        parts.append(sg)
    s = jnp.concatenate(parts, axis=0)
    counts = run
    nb = jnp.floor((counts + (BT - 1)) * (1.0 / BT))
    ei = lax.broadcasted_iota(jnp.int32, (E, E), 0)
    ej = lax.broadcasted_iota(jnp.int32, (E, E), 1)
    tri_e = (ei < ej).astype(jnp.float32)
    blk_start = lax.dot_general(nb, tri_e, (((1,), (0,)), ((), ())),
                                preferred_element_type=jnp.float32)
    pad_off = blk_start * BT
    num_real = jnp.sum(nb, axis=1, keepdims=True)
    tgt = pad_off + s
    pos1 = jnp.sum(oh1 * tgt, axis=1, keepdims=True)
    pos2 = jnp.sum(oh2 * tgt, axis=1, keepdims=True)
    pos_ref[...] = jnp.concatenate([pos1, pos2], axis=1).astype(jnp.int32)

    bi = lax.broadcasted_iota(jnp.int32, (NB, 1), 0)
    num_real_i = num_real.astype(jnp.int32)
    bc = jnp.minimum(bi, num_real_i - 1)
    bs_b = blk_start.astype(jnp.int32)
    wblk = jnp.sum((bc >= bs_b).astype(jnp.int32), axis=1, keepdims=True) - 1
    valid = (bi < num_real_i).astype(jnp.int32)
    oblk = jnp.where(valid == 1, bi, NB)
    meta_ref[...] = jnp.concatenate([wblk, bc, oblk, valid], axis=1)


def _router_call(x, Wg):
    return pl.pallas_call(
        _router_body,
        out_shape=(
            jax.ShapeDtypeStruct((T, K), jnp.int32),
            jax.ShapeDtypeStruct((T, 1), jnp.float32),
            jax.ShapeDtypeStruct((T, 1), jnp.float32),
            jax.ShapeDtypeStruct((T, D2), jnp.int32),
            jax.ShapeDtypeStruct((NB, 4), jnp.int32),
        ),
    )(x, Wg)


@functools.cache
def _sc_bucket_x():
    mesh = plsc.VectorSubcoreMesh(
        core_axis_name="c", subcore_axis_name="s", num_cores=NC)

    @functools.partial(
        pl.kernel,
        mesh=mesh,
        out_type=jax.ShapeDtypeStruct((P_X, D2), jnp.int32),
        scratch_types=[
            pltpu.VMEM((CH,), jnp.int32),
            pltpu.VMEM((CH,), jnp.int32),
            pltpu.VMEM((CH, D2), jnp.int32),
            pltpu.SemaphoreType.DMA,
            pltpu.SemaphoreType.DMA,
        ],
    )
    def body(x_hbm, tok_hbm, pos_hbm, xs_hbm, tok_v, pos_v, rows_v, g_sem, s_sem):
        wid = lax.axis_index("s") * NC + lax.axis_index("c")
        base = wid * A_BPW
        for c in range(A_BPW // CH):
            off = base + c * CH
            pltpu.sync_copy(tok_hbm.at[pl.ds(off, CH)], tok_v)
            pltpu.sync_copy(pos_hbm.at[pl.ds(off, CH)], pos_v)
            pltpu.async_copy(x_hbm.at[tok_v], rows_v, g_sem).wait()
            pltpu.async_copy(rows_v, xs_hbm.at[pos_v], s_sem).wait()

    return body


@functools.cache
def _sc_gather_y():
    mesh = plsc.VectorSubcoreMesh(
        core_axis_name="c", subcore_axis_name="s", num_cores=NC)

    @functools.partial(
        pl.kernel,
        mesh=mesh,
        out_type=(
            jax.ShapeDtypeStruct((T, D2), jnp.int32),
            jax.ShapeDtypeStruct((T, D2), jnp.int32),
        ),
        scratch_types=[
            pltpu.VMEM((CH,), jnp.int32),
            pltpu.VMEM((CH, D2), jnp.int32),
            pltpu.SemaphoreType.DMA,
        ],
    )
    def body(yp_hbm, pos_hbm, y1_hbm, y2_hbm, idx_v, rows_v, g_sem):
        wid = lax.axis_index("s") * NC + lax.axis_index("c")
        base = wid * A_BPW
        for c in range(A_BPW // CH):
            off = base + c * CH
            pltpu.sync_copy(pos_hbm.at[pl.ds(off, CH)], idx_v)
            pltpu.async_copy(yp_hbm.at[idx_v], rows_v, g_sem).wait()

            @pl.when(wid < NW // 2)
            def _():
                pltpu.sync_copy(rows_v, y1_hbm.at[pl.ds(off, CH)])

            @pl.when(wid >= NW // 2)
            def _():
                pltpu.sync_copy(rows_v, y2_hbm.at[pl.ds(off - T, CH)])

    return body


def _ffn_body(meta_ref, xs_ref, wg_ref, wu_ref, wd_ref, out_ref):
    g = pl.program_id(0)

    @pl.when(meta_ref[g, 3] == 1)
    def _():
        xb = _unpack_bf16(xs_ref[...])
        wg = wg_ref[0].astype(jnp.bfloat16)
        wu = wu_ref[0].astype(jnp.bfloat16)
        gg = lax.dot_general(xb, wg, _NT, preferred_element_type=jnp.float32)
        uu = lax.dot_general(xb, wu, _NT, preferred_element_type=jnp.float32)
        hh = (gg * jax.nn.sigmoid(gg) * uu).astype(jnp.bfloat16)
        wd = wd_ref[0].astype(jnp.bfloat16)
        out_ref[...] = _pack_bf16(
            lax.dot_general(hh, wd, _NT, preferred_element_type=jnp.float32))


def _ffn_call(meta, xs, w_gate, w_up, w_down):
    grid_spec = pltpu.PrefetchScalarGridSpec(
        num_scalar_prefetch=1,
        grid=(NB,),
        in_specs=[
            pl.BlockSpec((BT, D2), lambda g, m: (m[g, 1], 0)),
            pl.BlockSpec((1, DFF, D), lambda g, m: (m[g, 0], 0, 0)),
            pl.BlockSpec((1, DFF, D), lambda g, m: (m[g, 0], 0, 0)),
            pl.BlockSpec((1, D, DFF), lambda g, m: (m[g, 0], 0, 0)),
        ],
        out_specs=pl.BlockSpec((BT, D2), lambda g, m: (m[g, 2], 0)),
    )
    return pl.pallas_call(
        _ffn_body,
        grid_spec=grid_spec,
        out_shape=jax.ShapeDtypeStruct((P_Y, D2), jnp.int32),
    )(meta, xs, w_gate, w_up, w_down)


def _combine_body(x_ref, wsg_ref, wsu_ref, wsd_ref, y1_ref, y2_ref,
                  w1_ref, w2_ref, out_ref):
    xb = _unpack_bf16(x_ref[...])
    wsg = wsg_ref[...].astype(jnp.bfloat16)
    wsu = wsu_ref[...].astype(jnp.bfloat16)
    sg = lax.dot_general(xb, wsg, _NT, preferred_element_type=jnp.float32)
    su = lax.dot_general(xb, wsu, _NT, preferred_element_type=jnp.float32)
    sh = (sg * jax.nn.sigmoid(sg) * su).astype(jnp.bfloat16)
    wsd = wsd_ref[...].astype(jnp.bfloat16)
    sd = lax.dot_general(sh, wsd, _NT, preferred_element_type=jnp.float32)
    out_ref[...] = (sd + w1_ref[...] * _unpack_bf16(y1_ref[...]).astype(jnp.float32)
                    + w2_ref[...] * _unpack_bf16(y2_ref[...]).astype(jnp.float32))


def _combine_call(x32, ws_gate, ws_up, ws_down, y1, y2, w1, w2):
    return pl.pallas_call(
        _combine_body,
        grid=(NBD,),
        in_specs=[
            pl.BlockSpec((BTD, D2), lambda i: (i, 0)),
            pl.BlockSpec((DFF_S, D), lambda i: (0, 0)),
            pl.BlockSpec((DFF_S, D), lambda i: (0, 0)),
            pl.BlockSpec((D, DFF_S), lambda i: (0, 0)),
            pl.BlockSpec((BTD, D2), lambda i: (i, 0)),
            pl.BlockSpec((BTD, D2), lambda i: (i, 0)),
            pl.BlockSpec((BTD, 1), lambda i: (i, 0)),
            pl.BlockSpec((BTD, 1), lambda i: (i, 0)),
        ],
        out_specs=pl.BlockSpec((BTD, D), lambda i: (i, 0)),
        out_shape=jax.ShapeDtypeStruct((T, D), jnp.float32),
    )(x32, ws_gate, ws_up, ws_down, y1, y2, w1, w2)


def kernel(hidden_states, Wg, w_gate, w_up, w_down, ws_gate, ws_up, ws_down):
    x = hidden_states
    pos, w1, w2, x32, meta = _router_call(x, Wg)
    pos_flat = jnp.concatenate([pos[:, 0], pos[:, 1]])
    tok = jnp.concatenate([jnp.arange(T, dtype=jnp.int32)] * K)
    xs = _sc_bucket_x()(x32, tok, pos_flat)
    y_padded = _ffn_call(meta, xs, w_gate, w_up, w_down)
    y1, y2 = _sc_gather_y()(y_padded, pos_flat)
    return _combine_call(x32, ws_gate, ws_up, ws_down, y1, y2, w1, w2)

# --- scband reference (transcript-rebuilt; emitter-appended) ---
"""Pipeline reference for scband-fused-moe-89644557402992 (READ-ONLY COPY).

The authoritative reference and input builder live on the scoring server;
editing this copy changes nothing except your own understanding.
"""

import jax, jax.numpy as jnp
import numpy as np

T = 2048
D = 1024
E = 8
K = 2
DFF = 512
DFF_S = 1024  # n_shared_experts (2) * moe_intermediate_size (512)
ROUTED_SCALING = 1.0


def setup_inputs(seed: int = 0) -> dict:
    key = jax.random.key(seed)
    ks = jax.random.split(key, 8)
    hidden_states = jax.random.normal(ks[0], (T, D), dtype=jnp.float32)
    Wg = jax.random.normal(ks[1], (E, D), dtype=jnp.float32) * 0.02
    w_gate = jax.random.normal(ks[2], (E, DFF, D), dtype=jnp.float32) * 0.02
    w_up = jax.random.normal(ks[3], (E, DFF, D), dtype=jnp.float32) * 0.02
    w_down = jax.random.normal(ks[4], (E, D, DFF), dtype=jnp.float32) * 0.02
    ws_gate = jax.random.normal(ks[5], (DFF_S, D), dtype=jnp.float32) * 0.02
    ws_up = jax.random.normal(ks[6], (DFF_S, D), dtype=jnp.float32) * 0.02
    ws_down = jax.random.normal(ks[7], (D, DFF_S), dtype=jnp.float32) * 0.02
    return {
        "hidden_states": hidden_states,
        "Wg": Wg,
        "w_gate": w_gate,
        "w_up": w_up,
        "w_down": w_down,
        "ws_gate": ws_gate,
        "ws_up": ws_up,
        "ws_down": ws_down,
    }


def reference(hidden_states, Wg, w_gate, w_up, w_down, ws_gate, ws_up, ws_down):
    x = hidden_states
    # --- router (DeepseekV2 MoE gate, softmax scoring, top-k with renorm) ---
    router_logits = x @ Wg.T                                  # [T, E]
    scores = jax.nn.softmax(router_logits, axis=-1)
    topk_w, topk_idx = jax.lax.top_k(scores, K)               # [T, K]
    topk_w = topk_w / jnp.sum(topk_w, axis=-1, keepdims=True)  # norm_topk_prob
    # dense combine weights via scatter-add into [T, E]
    token_ids = jnp.arange(x.shape[0])[:, None]
    gates = jnp.zeros((x.shape[0], E), dtype=x.dtype).at[token_ids, topk_idx].add(topk_w)
    # --- routed experts (SwiGLU MLP per expert, computed densely and masked) ---
    g = jnp.einsum('td,efd->tef', x, w_gate)                  # [T, E, DFF]
    u = jnp.einsum('td,efd->tef', x, w_up)
    h = jax.nn.silu(g) * u
    y_all = jnp.einsum('tef,edf->ted', h, w_down)             # [T, E, D]
    routed = jnp.einsum('ted,te->td', y_all, gates)
    # --- shared experts (single SwiGLU MLP) ---
    shared = (jax.nn.silu(x @ ws_gate.T) * (x @ ws_up.T)) @ ws_down.T
    return routed * ROUTED_SCALING + shared

if __name__ == "__main__":
    import jax
    _d = setup_inputs()
    print(jax.jit(kernel)(*tuple(_d.values())))

</pallas_src>

<mosaic_0001>
#map = affine_map<(d0, d1) -> (0, 0)>
#map1 = affine_map<(d0, d1) -> (0)>
module attributes {stable_mosaic.version = 14 : i64} {
  func.func @body(%arg0: i32, %arg1: i32, %arg2: memref<8192x512xi32, #tpu.memory_space<hbm>>, %arg3: memref<4096xi32, #tpu.memory_space<hbm>>, %arg4: memref<2048x512xi32, #tpu.memory_space<hbm>>, %arg5: memref<2048x512xi32, #tpu.memory_space<hbm>>, %arg6: memref<128xi32, #tpu.memory_space<vmem>>, %arg7: memref<128x512xi32, #tpu.memory_space<vmem>>, %arg8: memref<!tpu.dma_semaphore, #tpu.memory_space<semaphore_mem>>) attributes {dimension_semantics = [#tpu.dimension_semantics<core_parallel>, #tpu.dimension_semantics<subcore_parallel>], iteration_bounds = array<i64: 2, 16>, scalar_prefetch = 0 : i64, scratch_operands = 3 : i64, tpu.core_type = #tpu.core_type<sc_vector_subcore>, window_params = [{transform_indices = #map}, {transform_indices = #map1}, {transform_indices = #map}, {transform_indices = #map}]} {
    %mul3A = arith.constant 2 : i32
    %mul3A_0 = arith.muli %arg1, %mul3A : i32
    %add3A = arith.addi %mul3A_0, %arg0 : i32
    %mul3A_1 = arith.constant 128 : i32
    %mul3A_2 = arith.muli %add3A, %mul3A_1 : i32
    %add3A_3 = arith.constant 0 : i32
    %add3A_4 = arith.addi %mul3A_2, %add3A_3 : i32
    "tpu.region"() ({
      %run_scoped3A = tpu.sem_alloc : memref<!tpu.dma_semaphore, #tpu.memory_space<semaphore_mem>>
      %dma_start3A_15 = tpu.memref_slice %arg3[%add3A_4] : memref<4096xi32, #tpu.memory_space<hbm>> -> memref<128xi32, #tpu.memory_space<hbm>>
      %dma_start3A_16 = tpu.memref_slice %arg3[%add3A_4] : memref<4096xi32, #tpu.memory_space<hbm>> -> memref<128xi32, #tpu.memory_space<hbm>>
      tpu.enqueue_dma source(%dma_start3A_16 : memref<128xi32, #tpu.memory_space<hbm>>) target(%arg6 : memref<128xi32, #tpu.memory_space<vmem>>) target_semaphore(%run_scoped3A : memref<!tpu.dma_semaphore, #tpu.memory_space<semaphore_mem>>)
      %dma_wait3A_17 = tpu.memref_slice %arg3[%add3A_4] : memref<4096xi32, #tpu.memory_space<hbm>> -> memref<128xi32, #tpu.memory_space<hbm>>
      %dma_wait3A_18 = tpu.memref_slice %arg3[%add3A_4] : memref<4096xi32, #tpu.memory_space<hbm>> -> memref<128xi32, #tpu.memory_space<hbm>>
      tpu.wait_dma2 semaphore(%run_scoped3A : memref<!tpu.dma_semaphore, #tpu.memory_space<semaphore_mem>>) src(%dma_wait3A_18 : memref<128xi32, #tpu.memory_space<hbm>>) dst(%arg6 : memref<128xi32, #tpu.memory_space<vmem>>)
      tpu.yield
    }) : () -> ()
    %dma_start3A = arith.constant 0 : i32
    %dma_start3A_5 = arith.constant 0 : i32
    %dma_start3A_6 = tpu.memref_slice %arg2[%dma_start3A, %dma_start3A_5] : memref<8192x512xi32, #tpu.memory_space<hbm>> -> memref<8192x512xi32, #tpu.memory_space<hbm>>
    tpu.enqueue_indirect_dma source(%dma_start3A_6 : memref<8192x512xi32, #tpu.memory_space<hbm>>) target(%arg7 : memref<128x512xi32, #tpu.memory_space<vmem>>) offsets(%arg6 : memref<128xi32, #tpu.memory_space<vmem>>) semaphore(%arg8 : memref<!tpu.dma_semaphore, #tpu.memory_space<semaphore_mem>>)
    %dma_wait3A = arith.constant 0 : i32
    %dma_wait3A_7 = arith.constant 0 : i32
    %dma_wait3A_8 = tpu.memref_slice %arg2[%dma_wait3A, %dma_wait3A_7] : memref<8192x512xi32, #tpu.memory_space<hbm>> -> memref<8192x512xi32, #tpu.memory_space<hbm>>
    tpu.wait_indirect_dma semaphore(%arg8 : memref<!tpu.dma_semaphore, #tpu.memory_space<semaphore_mem>>) src(%dma_wait3A_8 : memref<8192x512xi32, #tpu.memory_space<hbm>>) dst(%arg7 : memref<128x512xi32, #tpu.memory_space<vmem>>)
    %lt3A = arith.constant 16 : i32
    %lt3A_9 = arith.cmpi slt, %add3A, %lt3A : i32
    %convert_element_type3A = arith.extui %lt3A_9 : i1 to i32
    %cond3A = arith.constant 0 : i32
    %cond3A_10 = arith.cmpi ne, %convert_element_type3A, %cond3A : i32
    scf.if %cond3A_10 {
      "tpu.region"() ({
        %run_scoped3A = tpu.sem_alloc : memref<!tpu.dma_semaphore, #tpu.memory_space<semaphore_mem>>
        %dma_start3A_15 = arith.constant 0 : i32
        %dma_start3A_16 = tpu.memref_slice %arg4[%add3A_4, %dma_start3A_15] : memref<2048x512xi32, #tpu.memory_space<hbm>> -> memref<128x512xi32, #tpu.memory_space<hbm>>
        %dma_start3A_17 = arith.constant 0 : i32
        %dma_start3A_18 = tpu.memref_slice %arg4[%add3A_4, %dma_start3A_17] : memref<2048x512xi32, #tpu.memory_space<hbm>> -> memref<128x512xi32, #tpu.memory_space<hbm>>
        tpu.enqueue_dma source(%arg7 : memref<128x512xi32, #tpu.memory_space<vmem>>) target(%dma_start3A_18 : memref<128x512xi32, #tpu.memory_space<hbm>>) target_semaphore(%run_scoped3A : memref<!tpu.dma_semaphore, #tpu.memory_space<semaphore_mem>>)
        %dma_wait3A_19 = arith.constant 0 : i32
        %dma_wait3A_20 = tpu.memref_slice %arg4[%add3A_4, %dma_wait3A_19] : memref<2048x512xi32, #tpu.memory_space<hbm>> -> memref<128x512xi32, #tpu.memory_space<hbm>>
        %dma_wait3A_21 = arith.constant 0 : i32
        %dma_wait3A_22 = tpu.memref_slice %arg4[%add3A_4, %dma_wait3A_21] : memref<2048x512xi32, #tpu.memory_space<hbm>> -> memref<128x512xi32, #tpu.memory_space<hbm>>
        tpu.wait_dma2 semaphore(%run_scoped3A : memref<!tpu.dma_semaphore, #tpu.memory_space<semaphore_mem>>) src(%arg7 : memref<128x512xi32, #tpu.memory_space<vmem>>) dst(%dma_wait3A_22 : memref<128x512xi32, #tpu.memory_space<hbm>>)
        tpu.yield
      }) : () -> ()
    } else {
    }
    %ge3A = arith.constant 16 : i32
    %ge3A_11 = arith.cmpi sge, %add3A, %ge3A : i32
    %convert_element_type3A_12 = arith.extui %ge3A_11 : i1 to i32
    %cond3A_13 = arith.constant 0 : i32
    %cond3A_14 = arith.cmpi ne, %convert_element_type3A_12, %cond3A_13 : i32
    scf.if %cond3A_14 {
      %sub3A = arith.constant 2048 : i32
      %sub3A_15 = arith.subi %add3A_4, %sub3A : i32
      "tpu.region"() ({
        %run_scoped3A = tpu.sem_alloc : memref<!tpu.dma_semaphore, #tpu.memory_space<semaphore_mem>>
        %dma_start3A_16 = arith.constant 0 : i32
        %dma_start3A_17 = tpu.memref_slice %arg5[%sub3A_15, %dma_start3A_16] : memref<2048x512xi32, #tpu.memory_space<hbm>> -> memref<128x512xi32, #tpu.memory_space<hbm>>
        %dma_start3A_18 = arith.constant 0 : i32
        %dma_start3A_19 = tpu.memref_slice %arg5[%sub3A_15, %dma_start3A_18] : memref<2048x512xi32, #tpu.memory_space<hbm>> -> memref<128x512xi32, #tpu.memory_space<hbm>>
        tpu.enqueue_dma source(%arg7 : memref<128x512xi32, #tpu.memory_space<vmem>>) target(%dma_start3A_19 : memref<128x512xi32, #tpu.memory_space<hbm>>) target_semaphore(%run_scoped3A : memref<!tpu.dma_semaphore, #tpu.memory_space<semaphore_mem>>)
        %dma_wait3A_20 = arith.constant 0 : i32
        %dma_wait3A_21 = tpu.memref_slice %arg5[%sub3A_15, %dma_wait3A_20] : memref<2048x512xi32, #tpu.memory_space<hbm>> -> memref<128x512xi32, #tpu.memory_space<hbm>>
        %dma_wait3A_22 = arith.constant 0 : i32
        %dma_wait3A_23 = tpu.memref_slice %arg5[%sub3A_15, %dma_wait3A_22] : memref<2048x512xi32, #tpu.memory_space<hbm>> -> memref<128x512xi32, #tpu.memory_space<hbm>>
        tpu.wait_dma2 semaphore(%run_scoped3A : memref<!tpu.dma_semaphore, #tpu.memory_space<semaphore_mem>>) src(%arg7 : memref<128x512xi32, #tpu.memory_space<vmem>>) dst(%dma_wait3A_23 : memref<128x512xi32, #tpu.memory_space<hbm>>)
        tpu.yield
      }) : () -> ()
    } else {
    }
    return
  }
}

#map = affine_map<(d0, d1) -> (0, 0)>
#map1 = affine_map<(d0, d1) -> (0)>
module attributes {stable_mosaic.version = 14 : i64} {
  func.func @body(%arg0: i32, %arg1: i32, %arg2: memref<2048x512xi32, #tpu.memory_space<hbm>>, %arg3: memref<4096xi32, #tpu.memory_space<hbm>>, %arg4: memref<4096xi32, #tpu.memory_space<hbm>>, %arg5: memref<7680x512xi32, #tpu.memory_space<hbm>>, %arg6: memref<128xi32, #tpu.memory_space<vmem>>, %arg7: memref<128xi32, #tpu.memory_space<vmem>>, %arg8: memref<128x512xi32, #tpu.memory_space<vmem>>, %arg9: memref<!tpu.dma_semaphore, #tpu.memory_space<semaphore_mem>>, %arg10: memref<!tpu.dma_semaphore, #tpu.memory_space<semaphore_mem>>) attributes {dimension_semantics = [#tpu.dimension_semantics<core_parallel>, #tpu.dimension_semantics<subcore_parallel>], iteration_bounds = array<i64: 2, 16>, scalar_prefetch = 0 : i64, scratch_operands = 5 : i64, tpu.core_type = #tpu.core_type<sc_vector_subcore>, window_params = [{transform_indices = #map}, {transform_indices = #map1}, {transform_indices = #map1}, {transform_indices = #map}]} {
    %mul3A = arith.constant 2 : i32
    %mul3A_0 = arith.muli %arg1, %mul3A : i32
    %add3A = arith.addi %mul3A_0, %arg0 : i32
    %mul3A_1 = arith.constant 128 : i32
    %mul3A_2 = arith.muli %add3A, %mul3A_1 : i32
    %add3A_3 = arith.constant 0 : i32
    %add3A_4 = arith.addi %mul3A_2, %add3A_3 : i32
    "tpu.region"() ({
      %run_scoped3A = tpu.sem_alloc : memref<!tpu.dma_semaphore, #tpu.memory_space<semaphore_mem>>
      %dma_start3A_15 = tpu.memref_slice %arg3[%add3A_4] : memref<4096xi32, #tpu.memory_space<hbm>> -> memref<128xi32, #tpu.memory_space<hbm>>
      %dma_start3A_16 = tpu.memref_slice %arg3[%add3A_4] : memref<4096xi32, #tpu.memory_space<hbm>> -> memref<128xi32, #tpu.memory_space<hbm>>
      tpu.enqueue_dma source(%dma_start3A_16 : memref<128xi32, #tpu.memory_space<hbm>>) target(%arg6 : memref<128xi32, #tpu.memory_space<vmem>>) target_semaphore(%run_scoped3A : memref<!tpu.dma_semaphore, #tpu.memory_space<semaphore_mem>>)
      %dma_wait3A_17 = tpu.memref_slice %arg3[%add3A_4] : memref<4096xi32, #tpu.memory_space<hbm>> -> memref<128xi32, #tpu.memory_space<hbm>>
      %dma_wait3A_18 = tpu.memref_slice %arg3[%add3A_4] : memref<4096xi32, #tpu.memory_space<hbm>> -> memref<128xi32, #tpu.memory_space<hbm>>
      tpu.wait_dma2 semaphore(%run_scoped3A : memref<!tpu.dma_semaphore, #tpu.memory_space<semaphore_mem>>) src(%dma_wait3A_18 : memref<128xi32, #tpu.memory_space<hbm>>) dst(%arg6 : memref<128xi32, #tpu.memory_space<vmem>>)
      tpu.yield
    }) : () -> ()
    "tpu.region"() ({
      %run_scoped3A = tpu.sem_alloc : memref<!tpu.dma_semaphore, #tpu.memory_space<semaphore_mem>>
      %dma_start3A_15 = tpu.memref_slice %arg4[%add3A_4] : memref<4096xi32, #tpu.memory_space<hbm>> -> memref<128xi32, #tpu.memory_space<hbm>>
      %dma_start3A_16 = tpu.memref_slice %arg4[%add3A_4] : memref<4096xi32, #tpu.memory_space<hbm>> -> memref<128xi32, #tpu.memory_space<hbm>>
      tpu.enqueue_dma source(%dma_start3A_16 : memref<128xi32, #tpu.memory_space<hbm>>) target(%arg7 : memref<128xi32, #tpu.memory_space<vmem>>) target_semaphore(%run_scoped3A : memref<!tpu.dma_semaphore, #tpu.memory_space<semaphore_mem>>)
      %dma_wait3A_17 = tpu.memref_slice %arg4[%add3A_4] : memref<4096xi32, #tpu.memory_space<hbm>> -> memref<128xi32, #tpu.memory_space<hbm>>
      %dma_wait3A_18 = tpu.memref_slice %arg4[%add3A_4] : memref<4096xi32, #tpu.memory_space<hbm>> -> memref<128xi32, #tpu.memory_space<hbm>>
      tpu.wait_dma2 semaphore(%run_scoped3A : memref<!tpu.dma_semaphore, #tpu.memory_space<semaphore_mem>>) src(%dma_wait3A_18 : memref<128xi32, #tpu.memory_space<hbm>>) dst(%arg7 : memref<128xi32, #tpu.memory_space<vmem>>)
      tpu.yield
    }) : () -> ()
    %dma_start3A = arith.constant 0 : i32
    %dma_start3A_5 = arith.constant 0 : i32
    %dma_start3A_6 = tpu.memref_slice %arg2[%dma_start3A, %dma_start3A_5] : memref<2048x512xi32, #tpu.memory_space<hbm>> -> memref<2048x512xi32, #tpu.memory_space<hbm>>
    tpu.enqueue_indirect_dma source(%dma_start3A_6 : memref<2048x512xi32, #tpu.memory_space<hbm>>) target(%arg8 : memref<128x512xi32, #tpu.memory_space<vmem>>) offsets(%arg6 : memref<128xi32, #tpu.memory_space<vmem>>) semaphore(%arg9 : memref<!tpu.dma_semaphore, #tpu.memory_space<semaphore_mem>>)
    %dma_wait3A = arith.constant 0 : i32
    %dma_wait3A_7 = arith.constant 0 : i32
    %dma_wait3A_8 = tpu.memref_slice %arg2[%dma_wait3A, %dma_wait3A_7] : memref<2048x512xi32, #tpu.memory_space<hbm>> -> memref<2048x512xi32, #tpu.memory_space<hbm>>
    tpu.wait_indirect_dma semaphore(%arg9 : memref<!tpu.dma_semaphore, #tpu.memory_space<semaphore_mem>>) src(%dma_wait3A_8 : memref<2048x512xi32, #tpu.memory_space<hbm>>) dst(%arg8 : memref<128x512xi32, #tpu.memory_space<vmem>>)
    %dma_start3A_9 = arith.constant 0 : i32
    %dma_start3A_10 = arith.constant 0 : i32
    %dma_start3A_11 = tpu.memref_slice %arg5[%dma_start3A_9, %dma_start3A_10] : memref<7680x512xi32, #tpu.memory_space<hbm>> -> memref<7680x512xi32, #tpu.memory_space<hbm>>
    tpu.enqueue_indirect_dma source(%arg8 : memref<128x512xi32, #tpu.memory_space<vmem>>) target(%dma_start3A_11 : memref<7680x512xi32, #tpu.memory_space<hbm>>) offsets(%arg7 : memref<128xi32, #tpu.memory_space<vmem>>) semaphore(%arg10 : memref<!tpu.dma_semaphore, #tpu.memory_space<semaphore_mem>>)
    %dma_wait3A_12 = arith.constant 0 : i32
    %dma_wait3A_13 = arith.constant 0 : i32
    %dma_wait3A_14 = tpu.memref_slice %arg5[%dma_wait3A_12, %dma_wait3A_13] : memref<7680x512xi32, #tpu.memory_space<hbm>> -> memref<7680x512xi32, #tpu.memory_space<hbm>>
    tpu.wait_indirect_dma semaphore(%arg10 : memref<!tpu.dma_semaphore, #tpu.memory_space<semaphore_mem>>) src(%arg8 : memref<128x512xi32, #tpu.memory_space<vmem>>) dst(%dma_wait3A_14 : memref<7680x512xi32, #tpu.memory_space<hbm>>)
    return
  }
}

module attributes {stable_mosaic.version = 14 : i64} {
  func.func @_combine_body(%arg0: i32, %arg1: memref<256x512xi32, #tpu.memory_space<vmem>>, %arg2: memref<1024x1024xf32, #tpu.memory_space<vmem>>, %arg3: memref<1024x1024xf32, #tpu.memory_space<vmem>>, %arg4: memref<1024x1024xf32, #tpu.memory_space<vmem>>, %arg5: memref<256x512xi32, #tpu.memory_space<vmem>>, %arg6: memref<256x512xi32, #tpu.memory_space<vmem>>, %arg7: memref<256x1xf32, #tpu.memory_space<vmem>>, %arg8: memref<256x1xf32, #tpu.memory_space<vmem>>, %arg9: memref<256x1024xf32, #tpu.memory_space<vmem>>) attributes {dimension_semantics = [#tpu.dimension_semantics<arbitrary>], iteration_bounds = array<i64: 8>, scalar_prefetch = 0 : i64, scratch_operands = 0 : i64, tpu.core_type = #tpu.core_type<tc>, window_params = [{transform_indices = @transform_0, window_bounds = array<i64: 256, 512>}, {pipeline_mode = #tpu.pipeline_mode<synchronous>, transform_indices = @transform_1, window_bounds = array<i64: 1024, 1024>}, {pipeline_mode = #tpu.pipeline_mode<synchronous>, transform_indices = @transform_2, window_bounds = array<i64: 1024, 1024>}, {pipeline_mode = #tpu.pipeline_mode<synchronous>, transform_indices = @transform_3, window_bounds = array<i64: 1024, 1024>}, {transform_indices = @transform_4, window_bounds = array<i64: 256, 512>}, {transform_indices = @transform_5, window_bounds = array<i64: 256, 512>}, {transform_indices = @transform_6, window_bounds = array<i64: 256, 1>}, {transform_indices = @transform_7, window_bounds = array<i64: 256, 1>}, {transform_indices = @transform_8, window_bounds = array<i64: 256, 1024>}]} {
    %get3A = arith.constant 0 : index
    %get3A_0 = arith.constant 0 : index
    %get3A_1 = vector.load %arg1[%get3A, %get3A_0] : memref<256x512xi32, #tpu.memory_space<vmem>>, vector<256x512xi32>
    %convert_element_type3A = arith.trunci %get3A_1 : vector<256x512xi32> to vector<256x512xi16>
    %bitcast_convert_type3A = tpu.bitcast %convert_element_type3A : vector<256x512xi16> -> vector<256x512xbf16>
    %shift_right_logical3A = arith.constant 16 : i32
    %shift_right_logical3A_2 = vector.broadcast %shift_right_logical3A : i32 to vector<256x512xi32>
    %shift_right_logical3A_3 = arith.shrui %get3A_1, %shift_right_logical3A_2 : vector<256x512xi32>
    %convert_element_type3A_4 = arith.trunci %shift_right_logical3A_3 : vector<256x512xi32> to vector<256x512xi16>
    %bitcast_convert_type3A_5 = tpu.bitcast %convert_element_type3A_4 : vector<256x512xi16> -> vector<256x512xbf16>
    %concatenate3A = tpu.concatenate %bitcast_convert_type3A, %bitcast_convert_type3A_5 in 1 : vector<256x512xbf16>, vector<256x512xbf16> -> vector<256x1024xbf16>
    %get3A_6 = arith.constant 0 : index
    %get3A_7 = arith.constant 0 : index
    %get3A_8 = vector.load %arg2[%get3A_6, %get3A_7] : memref<1024x1024xf32, #tpu.memory_space<vmem>>, vector<1024x1024xf32>
    %convert_element_type3A_9 = arith.truncf %get3A_8 : vector<1024x1024xf32> to vector<1024x1024xbf16>
    %get3A_10 = arith.constant 0 : index
    %get3A_11 = arith.constant 0 : index
    %get3A_12 = vector.load %arg3[%get3A_10, %get3A_11] : memref<1024x1024xf32, #tpu.memory_space<vmem>>, vector<1024x1024xf32>
    %convert_element_type3A_13 = arith.truncf %get3A_12 : vector<1024x1024xf32> to vector<1024x1024xbf16>
    %dot_general3A = arith.constant dense<0.000000e+00> : vector<256x1024xf32>
    %dot_general3A_14 = tpu.matmul %concatenate3A, %convert_element_type3A_9, %dot_general3A {dimension_numbers = #tpu.dot_dimension_numbers<[1], [1], [0], [0], [0, 0, 1, 0], [], []>, transpose_lhs_hint = false} : vector<256x1024xbf16>, vector<1024x1024xbf16>, vector<256x1024xf32> -> vector<256x1024xf32>
    %dot_general3A_15 = arith.constant dense<0.000000e+00> : vector<256x1024xf32>
    %dot_general3A_16 = tpu.matmul %concatenate3A, %convert_element_type3A_13, %dot_general3A_15 {dimension_numbers = #tpu.dot_dimension_numbers<[1], [1], [0], [0], [0, 0, 1, 0], [], []>, transpose_lhs_hint = false} : vector<256x1024xbf16>, vector<1024x1024xbf16>, vector<256x1024xf32> -> vector<256x1024xf32>
    %logistic3A = arith.negf %dot_general3A_14 : vector<256x1024xf32>
    %logistic3A_17 = math.exp %logistic3A : vector<256x1024xf32>
    %logistic3A_18 = arith.constant 1.000000e+00 : f32
    %logistic3A_19 = vector.broadcast %logistic3A_18 : f32 to vector<256x1024xf32>
    %logistic3A_20 = arith.addf %logistic3A_19, %logistic3A_17 : vector<256x1024xf32>
    %logistic3A_21 = arith.divf %logistic3A_19, %logistic3A_20 : vector<256x1024xf32>
    %mul3A = arith.mulf %dot_general3A_14, %logistic3A_21 : vector<256x1024xf32>
    %mul3A_22 = arith.mulf %mul3A, %dot_general3A_16 : vector<256x1024xf32>
    %convert_element_type3A_23 = arith.truncf %mul3A_22 : vector<256x1024xf32> to vector<256x1024xbf16>
    %get3A_24 = arith.constant 0 : index
    %get3A_25 = arith.constant 0 : index
    %get3A_26 = vector.load %arg4[%get3A_24, %get3A_25] : memref<1024x1024xf32, #tpu.memory_space<vmem>>, vector<1024x1024xf32>
    %convert_element_type3A_27 = arith.truncf %get3A_26 : vector<1024x1024xf32> to vector<1024x1024xbf16>
    %dot_general3A_28 = arith.constant dense<0.000000e+00> : vector<256x1024xf32>
    %dot_general3A_29 = tpu.matmul %convert_element_type3A_23, %convert_element_type3A_27, %dot_general3A_28 {dimension_numbers = #tpu.dot_dimension_numbers<[1], [1], [0], [0], [0, 0, 1, 0], [], []>, transpose_lhs_hint = false} : vector<256x1024xbf16>, vector<1024x1024xbf16>, vector<256x1024xf32> -> vector<256x1024xf32>
    %get3A_30 = arith.constant 0 : index
    %get3A_31 = arith.constant 0 : index
    %get3A_32 = vector.load %arg7[%get3A_30, %get3A_31] : memref<256x1xf32, #tpu.memory_space<vmem>>, vector<256x1xf32>
    %get3A_33 = arith.constant 0 : index
    %get3A_34 = arith.constant 0 : index
    %get3A_35 = vector.load %arg5[%get3A_33, %get3A_34] : memref<256x512xi32, #tpu.memory_space<vmem>>, vector<256x512xi32>
    %convert_element_type3A_36 = arith.trunci %get3A_35 : vector<256x512xi32> to vector<256x512xi16>
    %bitcast_convert_type3A_37 = tpu.bitcast %convert_element_type3A_36 : vector<256x512xi16> -> vector<256x512xbf16>
    %shift_right_logical3A_38 = arith.constant 16 : i32
    %shift_right_logical3A_39 = vector.broadcast %shift_right_logical3A_38 : i32 to vector<256x512xi32>
    %shift_right_logical3A_40 = arith.shrui %get3A_35, %shift_right_logical3A_39 : vector<256x512xi32>
    %convert_element_type3A_41 = arith.trunci %shift_right_logical3A_40 : vector<256x512xi32> to vector<256x512xi16>
    %bitcast_convert_type3A_42 = tpu.bitcast %convert_element_type3A_41 : vector<256x512xi16> -> vector<256x512xbf16>
    %concatenate3A_43 = tpu.concatenate %bitcast_convert_type3A_37, %bitcast_convert_type3A_42 in 1 : vector<256x512xbf16>, vector<256x512xbf16> -> vector<256x1024xbf16>
    %convert_element_type3A_44 = arith.extf %concatenate3A_43 : vector<256x1024xbf16> to vector<256x1024xf32>
    %mul3A_45 = vector.broadcast %get3A_32 : vector<256x1xf32> to vector<256x1024xf32>
    %mul3A_46 = arith.mulf %mul3A_45, %convert_element_type3A_44 : vector<256x1024xf32>
    %add3A = arith.addf %dot_general3A_29, %mul3A_46 : vector<256x1024xf32>
    %get3A_47 = arith.constant 0 : index
    %get3A_48 = arith.constant 0 : index
    %get3A_49 = vector.load %arg8[%get3A_47, %get3A_48] : memref<256x1xf32, #tpu.memory_space<vmem>>, vector<256x1xf32>
    %get3A_50 = arith.constant 0 : index
    %get3A_51 = arith.constant 0 : index
    %get3A_52 = vector.load %arg6[%get3A_50, %get3A_51] : memref<256x512xi32, #tpu.memory_space<vmem>>, vector<256x512xi32>
    %convert_element_type3A_53 = arith.trunci %get3A_52 : vector<256x512xi32> to vector<256x512xi16>
    %bitcast_convert_type3A_54 = tpu.bitcast %convert_element_type3A_53 : vector<256x512xi16> -> vector<256x512xbf16>
    %shift_right_logical3A_55 = arith.constant 16 : i32
    %shift_right_logical3A_56 = vector.broadcast %shift_right_logical3A_55 : i32 to vector<256x512xi32>
    %shift_right_logical3A_57 = arith.shrui %get3A_52, %shift_right_logical3A_56 : vector<256x512xi32>
    %convert_element_type3A_58 = arith.trunci %shift_right_logical3A_57 : vector<256x512xi32> to vector<256x512xi16>
    %bitcast_convert_type3A_59 = tpu.bitcast %convert_element_type3A_58 : vector<256x512xi16> -> vector<256x512xbf16>
    %concatenate3A_60 = tpu.concatenate %bitcast_convert_type3A_54, %bitcast_convert_type3A_59 in 1 : vector<256x512xbf16>, vector<256x512xbf16> -> vector<256x1024xbf16>
    %convert_element_type3A_61 = arith.extf %concatenate3A_60 : vector<256x1024xbf16> to vector<256x1024xf32>
    %mul3A_62 = vector.broadcast %get3A_49 : vector<256x1xf32> to vector<256x1024xf32>
    %mul3A_63 = arith.mulf %mul3A_62, %convert_element_type3A_61 : vector<256x1024xf32>
    %add3A_64 = arith.addf %add3A, %mul3A_63 : vector<256x1024xf32>
    %swap3A = arith.constant 0 : index
    %swap3A_65 = arith.constant 0 : index
    %swap3A_66 = vector.load %arg9[%swap3A, %swap3A_65] : memref<256x1024xf32, #tpu.memory_space<vmem>>, vector<256x1024xf32>
    tpu.vector_store %arg9[%swap3A, %swap3A_65], %add3A_64 {strides = array<i32>} : memref<256x1024xf32, #tpu.memory_space<vmem>>, vector<256x1024xf32>,
    return
  }
  func.func @transform_0(%arg0: i32) -> (i32, i32) {
    %c0_i32 = arith.constant 0 : i32
    %c0_i32_0 = arith.constant 0 : i32
    return %arg0, %c0_i32 : i32, i32
  }
  func.func @transform_1(%arg0: i32) -> (i32, i32) {
    %c0_i32 = arith.constant 0 : i32
    %c0_i32_0 = arith.constant 0 : i32
    %c0_i32_1 = arith.constant 0 : i32
    return %c0_i32, %c0_i32_0 : i32, i32
  }
  func.func @transform_2(%arg0: i32) -> (i32, i32) {
    %c0_i32 = arith.constant 0 : i32
    %c0_i32_0 = arith.constant 0 : i32
    %c0_i32_1 = arith.constant 0 : i32
    return %c0_i32, %c0_i32_0 : i32, i32
  }
  func.func @transform_3(%arg0: i32) -> (i32, i32) {
    %c0_i32 = arith.constant 0 : i32
    %c0_i32_0 = arith.constant 0 : i32
    %c0_i32_1 = arith.constant 0 : i32
    return %c0_i32, %c0_i32_0 : i32, i32
  }
  func.func @transform_4(%arg0: i32) -> (i32, i32) {
    %c0_i32 = arith.constant 0 : i32
    %c0_i32_0 = arith.constant 0 : i32
    return %arg0, %c0_i32 : i32, i32
  }
  func.func @transform_5(%arg0: i32) -> (i32, i32) {
    %c0_i32 = arith.constant 0 : i32
    %c0_i32_0 = arith.constant 0 : i32
    return %arg0, %c0_i32 : i32, i32
  }
  func.func @transform_6(%arg0: i32) -> (i32, i32) {
    %c0_i32 = arith.constant 0 : i32
    %c0_i32_0 = arith.constant 0 : i32
    return %arg0, %c0_i32 : i32, i32
  }
  func.func @transform_7(%arg0: i32) -> (i32, i32) {
    %c0_i32 = arith.constant 0 : i32
    %c0_i32_0 = arith.constant 0 : i32
    return %arg0, %c0_i32 : i32, i32
  }
  func.func @transform_8(%arg0: i32) -> (i32, i32) {
    %c0_i32 = arith.constant 0 : i32
    %c0_i32_0 = arith.constant 0 : i32
    return %arg0, %c0_i32 : i32, i32
  }
}

module attributes {stable_mosaic.version = 14 : i64} {
  func.func @_ffn_body(%arg0: i32, %arg1: memref<15x4xi32, #tpu.memory_space<smem>>, %arg2: memref<512x512xi32, #tpu.memory_space<vmem>>, %arg3: memref<1x512x1024xf32, #tpu.memory_space<vmem>>, %arg4: memref<1x512x1024xf32, #tpu.memory_space<vmem>>, %arg5: memref<1x1024x512xf32, #tpu.memory_space<vmem>>, %arg6: memref<512x512xi32, #tpu.memory_space<vmem>>) attributes {dimension_semantics = [#tpu.dimension_semantics<arbitrary>], iteration_bounds = array<i64: 15>, scalar_prefetch = 1 : i64, scratch_operands = 0 : i64, tpu.core_type = #tpu.core_type<tc>, window_params = [{transform_indices = @transform_0, window_bounds = array<i64: 512, 512>}, {transform_indices = @transform_1, window_bounds = array<i64: 1, 512, 1024>}, {transform_indices = @transform_2, window_bounds = array<i64: 1, 512, 1024>}, {transform_indices = @transform_3, window_bounds = array<i64: 1, 1024, 512>}, {transform_indices = @transform_4, window_bounds = array<i64: 512, 512>}]} {
    %get3A = arith.index_cast %arg0 : i32 to index
    %get3A_0 = arith.constant 3 : index
    %get3A_1 = memref.load %arg1[%get3A, %get3A_0] : memref<15x4xi32, #tpu.memory_space<smem>>
    %eq3A = arith.constant 1 : i32
    %eq3A_2 = arith.cmpi eq, %get3A_1, %eq3A : i32
    %convert_element_type3A = arith.extui %eq3A_2 : i1 to i32
    %cond3A = arith.constant 0 : i32
    %cond3A_3 = arith.cmpi ne, %convert_element_type3A, %cond3A : i32
    scf.if %cond3A_3 {
      %get3A_4 = arith.constant 0 : index
      %get3A_5 = arith.constant 0 : index
      %get3A_6 = vector.load %arg2[%get3A_4, %get3A_5] : memref<512x512xi32, #tpu.memory_space<vmem>>, vector<512x512xi32>
      %convert_element_type3A_7 = arith.trunci %get3A_6 : vector<512x512xi32> to vector<512x512xi16>
      %bitcast_convert_type3A = tpu.bitcast %convert_element_type3A_7 : vector<512x512xi16> -> vector<512x512xbf16>
      %shift_right_logical3A = arith.constant 16 : i32
      %shift_right_logical3A_8 = vector.broadcast %shift_right_logical3A : i32 to vector<512x512xi32>
      %shift_right_logical3A_9 = arith.shrui %get3A_6, %shift_right_logical3A_8 : vector<512x512xi32>
      %convert_element_type3A_10 = arith.trunci %shift_right_logical3A_9 : vector<512x512xi32> to vector<512x512xi16>
      %bitcast_convert_type3A_11 = tpu.bitcast %convert_element_type3A_10 : vector<512x512xi16> -> vector<512x512xbf16>
      %concatenate3A = tpu.concatenate %bitcast_convert_type3A, %bitcast_convert_type3A_11 in 1 : vector<512x512xbf16>, vector<512x512xbf16> -> vector<512x1024xbf16>
      %get3A_12 = arith.constant 0 : index
      %get3A_13 = arith.constant 0 : index
      %get3A_14 = arith.constant 0 : index
      %get3A_15 = vector.load %arg3[%get3A_12, %get3A_13, %get3A_14] : memref<1x512x1024xf32, #tpu.memory_space<vmem>>, vector<1x512x1024xf32>
      %get3A_16 = vector.shape_cast %get3A_15 : vector<1x512x1024xf32> to vector<512x1024xf32>
      %convert_element_type3A_17 = arith.truncf %get3A_16 : vector<512x1024xf32> to vector<512x1024xbf16>
      %get3A_18 = arith.constant 0 : index
      %get3A_19 = arith.constant 0 : index
      %get3A_20 = arith.constant 0 : index
      %get3A_21 = vector.load %arg4[%get3A_18, %get3A_19, %get3A_20] : memref<1x512x1024xf32, #tpu.memory_space<vmem>>, vector<1x512x1024xf32>
      %get3A_22 = vector.shape_cast %get3A_21 : vector<1x512x1024xf32> to vector<512x1024xf32>
      %convert_element_type3A_23 = arith.truncf %get3A_22 : vector<512x1024xf32> to vector<512x1024xbf16>
      %dot_general3A = arith.constant dense<0.000000e+00> : vector<512x512xf32>
      %dot_general3A_24 = tpu.matmul %concatenate3A, %convert_element_type3A_17, %dot_general3A {dimension_numbers = #tpu.dot_dimension_numbers<[1], [1], [0], [0], [0, 0, 1, 0], [], []>, transpose_lhs_hint = false} : vector<512x1024xbf16>, vector<512x1024xbf16>, vector<512x512xf32> -> vector<512x512xf32>
      %dot_general3A_25 = arith.constant dense<0.000000e+00> : vector<512x512xf32>
      %dot_general3A_26 = tpu.matmul %concatenate3A, %convert_element_type3A_23, %dot_general3A_25 {dimension_numbers = #tpu.dot_dimension_numbers<[1], [1], [0], [0], [0, 0, 1, 0], [], []>, transpose_lhs_hint = false} : vector<512x1024xbf16>, vector<512x1024xbf16>, vector<512x512xf32> -> vector<512x512xf32>
      %logistic3A = arith.negf %dot_general3A_24 : vector<512x512xf32>
      %logistic3A_27 = math.exp %logistic3A : vector<512x512xf32>
      %logistic3A_28 = arith.constant 1.000000e+00 : f32
      %logistic3A_29 = vector.broadcast %logistic3A_28 : f32 to vector<512x512xf32>
      %logistic3A_30 = arith.addf %logistic3A_29, %logistic3A_27 : vector<512x512xf32>
      %logistic3A_31 = arith.divf %logistic3A_29, %logistic3A_30 : vector<512x512xf32>
      %mul3A = arith.mulf %dot_general3A_24, %logistic3A_31 : vector<512x512xf32>
      %mul3A_32 = arith.mulf %mul3A, %dot_general3A_26 : vector<512x512xf32>
      %convert_element_type3A_33 = arith.truncf %mul3A_32 : vector<512x512xf32> to vector<512x512xbf16>
      %get3A_34 = arith.constant 0 : index
      %get3A_35 = arith.constant 0 : index
      %get3A_36 = arith.constant 0 : index
      %get3A_37 = vector.load %arg5[%get3A_34, %get3A_35, %get3A_36] : memref<1x1024x512xf32, #tpu.memory_space<vmem>>, vector<1x1024x512xf32>
      %get3A_38 = vector.shape_cast %get3A_37 : vector<1x1024x512xf32> to vector<1024x512xf32>
      %convert_element_type3A_39 = arith.truncf %get3A_38 : vector<1024x512xf32> to vector<1024x512xbf16>
      %dot_general3A_40 = arith.constant dense<0.000000e+00> : vector<512x1024xf32>
      %dot_general3A_41 = tpu.matmul %convert_element_type3A_33, %convert_element_type3A_39, %dot_general3A_40 {dimension_numbers = #tpu.dot_dimension_numbers<[1], [1], [0], [0], [0, 0, 1, 0], [], []>, transpose_lhs_hint = false} : vector<512x512xbf16>, vector<1024x512xbf16>, vector<512x1024xf32> -> vector<512x1024xf32>
      %convert_element_type3A_42 = arith.truncf %dot_general3A_41 : vector<512x1024xf32> to vector<512x1024xbf16>
      %slice3A = vector.extract_strided_slice %convert_element_type3A_42 {offsets = [0, 0], sizes = [512, 512], strides = [1, 1]} : vector<512x1024xbf16> to vector<512x512xbf16>
      %bitcast_convert_type3A_43 = tpu.bitcast %slice3A : vector<512x512xbf16> -> vector<512x512xi16>
      %convert_element_type3A_44 = arith.extsi %bitcast_convert_type3A_43 : vector<512x512xi16> to vector<512x512xi32>
      %and3A = arith.constant 65535 : i32
      %and3A_45 = vector.broadcast %and3A : i32 to vector<512x512xi32>
      %and3A_46 = arith.andi %convert_element_type3A_44, %and3A_45 : vector<512x512xi32>
      %slice3A_47 = vector.extract_strided_slice %convert_element_type3A_42 {offsets = [0, 512], sizes = [512, 512], strides = [1, 1]} : vector<512x1024xbf16> to vector<512x512xbf16>
      %bitcast_convert_type3A_48 = tpu.bitcast %slice3A_47 : vector<512x512xbf16> -> vector<512x512xi16>
      %convert_element_type3A_49 = arith.extsi %bitcast_convert_type3A_48 : vector<512x512xi16> to vector<512x512xi32>
      %shift_left3A = arith.constant 16 : i32
      %shift_left3A_50 = vector.broadcast %shift_left3A : i32 to vector<512x512xi32>
      %shift_left3A_51 = arith.shli %convert_element_type3A_49, %shift_left3A_50 : vector<512x512xi32>
      %or3A = arith.ori %shift_left3A_51, %and3A_46 : vector<512x512xi32>
      %swap3A = arith.constant 0 : index
      %swap3A_52 = arith.constant 0 : index
      %swap3A_53 = vector.load %arg6[%swap3A, %swap3A_52] : memref<512x512xi32, #tpu.memory_space<vmem>>, vector<512x512xi32>
      tpu.vector_store %arg6[%swap3A, %swap3A_52], %or3A {strides = array<i32>} : memref<512x512xi32, #tpu.memory_space<vmem>>, vector<512x512xi32>,
    } else {
    }
    return
  }
  func.func @transform_0(%arg0: i32, %arg1: memref<15x4xi32, #tpu.memory_space<smem>>) -> (i32, i32) {
    %get3A = arith.index_cast %arg0 : i32 to index
    %get3A_0 = arith.constant 1 : index
    %get3A_1 = memref.load %arg1[%get3A, %get3A_0] : memref<15x4xi32, #tpu.memory_space<smem>>
    %c0_i32 = arith.constant 0 : i32
    %c0_i32_2 = arith.constant 0 : i32
    return %get3A_1, %c0_i32 : i32, i32
  }
  func.func @transform_1(%arg0: i32, %arg1: memref<15x4xi32, #tpu.memory_space<smem>>) -> (i32, i32, i32) {
    %get3A = arith.index_cast %arg0 : i32 to index
    %get3A_0 = arith.constant 0 : index
    %get3A_1 = memref.load %arg1[%get3A, %get3A_0] : memref<15x4xi32, #tpu.memory_space<smem>>
    %c0_i32 = arith.constant 0 : i32
    %c0_i32_2 = arith.constant 0 : i32
    %c0_i32_3 = arith.constant 0 : i32
    return %get3A_1, %c0_i32, %c0_i32_2 : i32, i32, i32
  }
  func.func @transform_2(%arg0: i32, %arg1: memref<15x4xi32, #tpu.memory_space<smem>>) -> (i32, i32, i32) {
    %get3A = arith.index_cast %arg0 : i32 to index
    %get3A_0 = arith.constant 0 : index
    %get3A_1 = memref.load %arg1[%get3A, %get3A_0] : memref<15x4xi32, #tpu.memory_space<smem>>
    %c0_i32 = arith.constant 0 : i32
    %c0_i32_2 = arith.constant 0 : i32
    %c0_i32_3 = arith.constant 0 : i32
    return %get3A_1, %c0_i32, %c0_i32_2 : i32, i32, i32
  }
  func.func @transform_3(%arg0: i32, %arg1: memref<15x4xi32, #tpu.memory_space<smem>>) -> (i32, i32, i32) {
    %get3A = arith.index_cast %arg0 : i32 to index
    %get3A_0 = arith.constant 0 : index
    %get3A_1 = memref.load %arg1[%get3A, %get3A_0] : memref<15x4xi32, #tpu.memory_space<smem>>
    %c0_i32 = arith.constant 0 : i32
    %c0_i32_2 = arith.constant 0 : i32
    %c0_i32_3 = arith.constant 0 : i32
    return %get3A_1, %c0_i32, %c0_i32_2 : i32, i32, i32
  }
  func.func @transform_4(%arg0: i32, %arg1: memref<15x4xi32, #tpu.memory_space<smem>>) -> (i32, i32) {
    %get3A = arith.index_cast %arg0 : i32 to index
    %get3A_0 = arith.constant 2 : index
    %get3A_1 = memref.load %arg1[%get3A, %get3A_0] : memref<15x4xi32, #tpu.memory_space<smem>>
    %c0_i32 = arith.constant 0 : i32
    %c0_i32_2 = arith.constant 0 : i32
    return %get3A_1, %c0_i32 : i32, i32
  }
}

module attributes {stable_mosaic.version = 14 : i64} {
  func.func @_router_body(%arg0: memref<2048x1024xf32, #tpu.memory_space<vmem>>, %arg1: memref<8x1024xf32, #tpu.memory_space<vmem>>, %arg2: memref<2048x2xi32, #tpu.memory_space<vmem>>, %arg3: memref<2048x1xf32, #tpu.memory_space<vmem>>, %arg4: memref<2048x1xf32, #tpu.memory_space<vmem>>, %arg5: memref<2048x512xi32, #tpu.memory_space<vmem>>, %arg6: memref<15x4xi32, #tpu.memory_space<vmem>>) attributes {dimension_semantics = [], scalar_prefetch = 0 : i64, scratch_operands = 0 : i64, tpu.core_type = #tpu.core_type<tc>} {
    %get3A = arith.constant 0 : index
    %get3A_0 = arith.constant 0 : index
    %get3A_1 = vector.load %arg0[%get3A, %get3A_0] : memref<2048x1024xf32, #tpu.memory_space<vmem>>, vector<2048x1024xf32>
    %convert_element_type3A = arith.truncf %get3A_1 : vector<2048x1024xf32> to vector<2048x1024xbf16>
    %slice3A = vector.extract_strided_slice %convert_element_type3A {offsets = [0, 0], sizes = [2048, 512], strides = [1, 1]} : vector<2048x1024xbf16> to vector<2048x512xbf16>
    %bitcast_convert_type3A = tpu.bitcast %slice3A : vector<2048x512xbf16> -> vector<2048x512xi16>
    %convert_element_type3A_2 = arith.extsi %bitcast_convert_type3A : vector<2048x512xi16> to vector<2048x512xi32>
    %and3A = arith.constant 65535 : i32
    %and3A_3 = vector.broadcast %and3A : i32 to vector<2048x512xi32>
    %and3A_4 = arith.andi %convert_element_type3A_2, %and3A_3 : vector<2048x512xi32>
    %slice3A_5 = vector.extract_strided_slice %convert_element_type3A {offsets = [0, 512], sizes = [2048, 512], strides = [1, 1]} : vector<2048x1024xbf16> to vector<2048x512xbf16>
    %bitcast_convert_type3A_6 = tpu.bitcast %slice3A_5 : vector<2048x512xbf16> -> vector<2048x512xi16>
    %convert_element_type3A_7 = arith.extsi %bitcast_convert_type3A_6 : vector<2048x512xi16> to vector<2048x512xi32>
    %shift_left3A = arith.constant 16 : i32
    %shift_left3A_8 = vector.broadcast %shift_left3A : i32 to vector<2048x512xi32>
    %shift_left3A_9 = arith.shli %convert_element_type3A_7, %shift_left3A_8 : vector<2048x512xi32>
    %or3A = arith.ori %shift_left3A_9, %and3A_4 : vector<2048x512xi32>
    %swap3A = arith.constant 0 : index
    %swap3A_10 = arith.constant 0 : index
    %swap3A_11 = vector.load %arg5[%swap3A, %swap3A_10] : memref<2048x512xi32, #tpu.memory_space<vmem>>, vector<2048x512xi32>
    tpu.vector_store %arg5[%swap3A, %swap3A_10], %or3A {strides = array<i32>} : memref<2048x512xi32, #tpu.memory_space<vmem>>, vector<2048x512xi32>,
    %get3A_12 = arith.constant 0 : index
    %get3A_13 = arith.constant 0 : index
    %get3A_14 = vector.load %arg1[%get3A_12, %get3A_13] : memref<8x1024xf32, #tpu.memory_space<vmem>>, vector<8x1024xf32>
    %dot_general3A = arith.constant dense<0.000000e+00> : vector<2048x8xf32>
    %dot_general3A_15 = tpu.matmul %get3A_1, %get3A_14, %dot_general3A {dimension_numbers = #tpu.dot_dimension_numbers<[1], [1], [0], [0], [0, 0, 1, 0], [], []>, transpose_lhs_hint = false} : vector<2048x1024xf32>, vector<8x1024xf32>, vector<2048x8xf32> -> vector<2048x8xf32>
    %reduce_max3A = arith.constant dense<0xFF800000> : vector<2048xf32>
    %reduce_max3A_16 = vector.multi_reduction <maximumf>, %dot_general3A_15, %reduce_max3A [1] : vector<2048x8xf32> to vector<2048xf32>
    %broadcast_in_dim3A = vector.shape_cast %reduce_max3A_16 : vector<2048xf32> to vector<2048x1xf32>
    %sub3A = vector.broadcast %broadcast_in_dim3A : vector<2048x1xf32> to vector<2048x8xf32>
    %sub3A_17 = arith.subf %dot_general3A_15, %sub3A : vector<2048x8xf32>
    %exp3A = math.exp %sub3A_17 : vector<2048x8xf32>
    %reduce_sum3A = arith.constant dense<0.000000e+00> : vector<2048xf32>
    %reduce_sum3A_18 = vector.multi_reduction <add>, %exp3A, %reduce_sum3A [1] : vector<2048x8xf32> to vector<2048xf32>
    %broadcast_in_dim3A_19 = vector.shape_cast %reduce_sum3A_18 : vector<2048xf32> to vector<2048x1xf32>
    %div3A = vector.broadcast %broadcast_in_dim3A_19 : vector<2048x1xf32> to vector<2048x8xf32>
    %div3A_20 = arith.divf %exp3A, %div3A : vector<2048x8xf32>
    %iota3A = tpu.iota {dimensions = array<i32: 1>} : vector<2048x8xi32>
    %reduce_max3A_21 = arith.constant dense<0xFF800000> : vector<2048xf32>
    %reduce_max3A_22 = vector.multi_reduction <maximumf>, %div3A_20, %reduce_max3A_21 [1] : vector<2048x8xf32> to vector<2048xf32>
    %broadcast_in_dim3A_23 = vector.shape_cast %reduce_max3A_22 : vector<2048xf32> to vector<2048x1xf32>
    %eq3A = vector.broadcast %broadcast_in_dim3A_23 : vector<2048x1xf32> to vector<2048x8xf32>
    %eq3A_24 = arith.cmpf oeq, %div3A_20, %eq3A : vector<2048x8xf32>
    %jit3A = arith.constant 8 : i32
    %broadcast_in_dim3A_25 = vector.broadcast %jit3A : i32 to vector<2048x8xi32>
    %select_n3A = arith.select %eq3A_24, %iota3A, %broadcast_in_dim3A_25 : vector<2048x8xi1>, vector<2048x8xi32>
    %reduce_min3A = arith.constant dense<2147483647> : vector<2048xi32>
    %reduce_min3A_26 = vector.multi_reduction <minsi>, %select_n3A, %reduce_min3A [1] : vector<2048x8xi32> to vector<2048xi32>
    %broadcast_in_dim3A_27 = vector.shape_cast %reduce_min3A_26 : vector<2048xi32> to vector<2048x1xi32>
    %eq3A_28 = vector.broadcast %broadcast_in_dim3A_27 : vector<2048x1xi32> to vector<2048x8xi32>
    %eq3A_29 = arith.cmpi eq, %iota3A, %eq3A_28 : vector<2048x8xi32>
    %jit3A_30 = arith.constant 0xFF800000 : f32
    %broadcast_in_dim3A_31 = vector.broadcast %jit3A_30 : f32 to vector<2048x8xf32>
    %select_n3A_32 = arith.select %eq3A_29, %broadcast_in_dim3A_31, %div3A_20 : vector<2048x8xi1>, vector<2048x8xf32>
    %reduce_max3A_33 = arith.constant dense<0xFF800000> : vector<2048xf32>
    %reduce_max3A_34 = vector.multi_reduction <maximumf>, %select_n3A_32, %reduce_max3A_33 [1] : vector<2048x8xf32> to vector<2048xf32>
    %broadcast_in_dim3A_35 = vector.shape_cast %reduce_max3A_34 : vector<2048xf32> to vector<2048x1xf32>
    %eq3A_36 = vector.broadcast %broadcast_in_dim3A_35 : vector<2048x1xf32> to vector<2048x8xf32>
    %eq3A_37 = arith.cmpf oeq, %select_n3A_32, %eq3A_36 : vector<2048x8xf32>
    %jit3A_38 = arith.constant 8 : i32
    %broadcast_in_dim3A_39 = vector.broadcast %jit3A_38 : i32 to vector<2048x8xi32>
    %select_n3A_40 = arith.select %eq3A_37, %iota3A, %broadcast_in_dim3A_39 : vector<2048x8xi1>, vector<2048x8xi32>
    %reduce_min3A_41 = arith.constant dense<2147483647> : vector<2048xi32>
    %reduce_min3A_42 = vector.multi_reduction <minsi>, %select_n3A_40, %reduce_min3A_41 [1] : vector<2048x8xi32> to vector<2048xi32>
    %broadcast_in_dim3A_43 = vector.shape_cast %reduce_min3A_42 : vector<2048xi32> to vector<2048x1xi32>
    %add3A = arith.addf %broadcast_in_dim3A_23, %broadcast_in_dim3A_35 : vector<2048x1xf32>
    %div3A_44 = arith.divf %broadcast_in_dim3A_23, %add3A : vector<2048x1xf32>
    %swap3A_45 = arith.constant 0 : index
    %swap3A_46 = arith.constant 0 : index
    %swap3A_47 = vector.load %arg3[%swap3A_45, %swap3A_46] : memref<2048x1xf32, #tpu.memory_space<vmem>>, vector<2048x1xf32>
    tpu.vector_store %arg3[%swap3A_45, %swap3A_46], %div3A_44 {strides = array<i32>} : memref<2048x1xf32, #tpu.memory_space<vmem>>, vector<2048x1xf32>,
    %div3A_48 = arith.divf %broadcast_in_dim3A_35, %add3A : vector<2048x1xf32>
    %swap3A_49 = arith.constant 0 : index
    %swap3A_50 = arith.constant 0 : index
    %swap3A_51 = vector.load %arg4[%swap3A_49, %swap3A_50] : memref<2048x1xf32, #tpu.memory_space<vmem>>, vector<2048x1xf32>
    tpu.vector_store %arg4[%swap3A_49, %swap3A_50], %div3A_48 {strides = array<i32>} : memref<2048x1xf32, #tpu.memory_space<vmem>>, vector<2048x1xf32>,
    %eq3A_52 = vector.broadcast %broadcast_in_dim3A_27 : vector<2048x1xi32> to vector<2048x8xi32>
    %eq3A_53 = arith.cmpi eq, %iota3A, %eq3A_52 : vector<2048x8xi32>
    %convert_element_type3A_54 = arith.extui %eq3A_53 : vector<2048x8xi1> to vector<2048x8xi32>
    %convert_element_type3A_55 = arith.sitofp %convert_element_type3A_54 : vector<2048x8xi32> to vector<2048x8xf32>
    %eq3A_56 = vector.broadcast %broadcast_in_dim3A_43 : vector<2048x1xi32> to vector<2048x8xi32>
    %eq3A_57 = arith.cmpi eq, %iota3A, %eq3A_56 : vector<2048x8xi32>
    %convert_element_type3A_58 = arith.extui %eq3A_57 : vector<2048x8xi1> to vector<2048x8xi32>
    %convert_element_type3A_59 = arith.sitofp %convert_element_type3A_58 : vector<2048x8xi32> to vector<2048x8xf32>
    %add3A_60 = arith.addf %convert_element_type3A_55, %convert_element_type3A_59 : vector<2048x8xf32>
    %iota3A_61 = tpu.iota {dimensions = array<i32: 0>} : vector<128x128xi32>
    %iota3A_62 = tpu.iota {dimensions = array<i32: 1>} : vector<128x128xi32>
    %lt3A = arith.cmpi slt, %iota3A_62, %iota3A_61 : vector<128x128xi32>
    %convert_element_type3A_63 = arith.extui %lt3A : vector<128x128xi1> to vector<128x128xi32>
    %convert_element_type3A_64 = arith.sitofp %convert_element_type3A_63 : vector<128x128xi32> to vector<128x128xf32>
    %broadcast_in_dim3A_65 = arith.constant 0.000000e+00 : f32
    %broadcast_in_dim3A_66 = vector.broadcast %broadcast_in_dim3A_65 : f32 to vector<1x8xf32>
    %slice3A_67 = vector.extract_strided_slice %add3A_60 {offsets = [0, 0], sizes = [128, 8], strides = [1, 1]} : vector<2048x8xf32> to vector<128x8xf32>
    %dot_general3A_68 = arith.constant dense<0.000000e+00> : vector<128x8xf32>
    %dot_general3A_69 = tpu.matmul %convert_element_type3A_64, %slice3A_67, %dot_general3A_68 {dimension_numbers = #tpu.dot_dimension_numbers<[1], [0], [0], [1], [0, 0, 1, 1], [], []>, transpose_lhs_hint = false} : vector<128x128xf32>, vector<128x8xf32>, vector<128x8xf32> -> vector<128x8xf32>
    %add3A_70 = vector.broadcast %broadcast_in_dim3A_66 : vector<1x8xf32> to vector<128x8xf32>
    %add3A_71 = arith.addf %dot_general3A_69, %add3A_70 : vector<128x8xf32>
    %reduce_sum3A_72 = arith.constant dense<0.000000e+00> : vector<8xf32>
    %reduce_sum3A_73 = vector.multi_reduction <add>, %slice3A_67, %reduce_sum3A_72 [0] : vector<128x8xf32> to vector<8xf32>
    %broadcast_in_dim3A_74 = vector.shape_cast %reduce_sum3A_73 : vector<8xf32> to vector<1x8xf32>
    %add3A_75 = arith.addf %broadcast_in_dim3A_66, %broadcast_in_dim3A_74 : vector<1x8xf32>
    %slice3A_76 = vector.extract_strided_slice %add3A_60 {offsets = [128, 0], sizes = [128, 8], strides = [1, 1]} : vector<2048x8xf32> to vector<128x8xf32>
    %dot_general3A_77 = arith.constant dense<0.000000e+00> : vector<128x8xf32>
    %dot_general3A_78 = tpu.matmul %convert_element_type3A_64, %slice3A_76, %dot_general3A_77 {dimension_numbers = #tpu.dot_dimension_numbers<[1], [0], [0], [1], [0, 0, 1, 1], [], []>, transpose_lhs_hint = false} : vector<128x128xf32>, vector<128x8xf32>, vector<128x8xf32> -> vector<128x8xf32>
    %add3A_79 = vector.broadcast %add3A_75 : vector<1x8xf32> to vector<128x8xf32>
    %add3A_80 = arith.addf %dot_general3A_78, %add3A_79 : vector<128x8xf32>
    %reduce_sum3A_81 = arith.constant dense<0.000000e+00> : vector<8xf32>
    %reduce_sum3A_82 = vector.multi_reduction <add>, %slice3A_76, %reduce_sum3A_81 [0] : vector<128x8xf32> to vector<8xf32>
    %broadcast_in_dim3A_83 = vector.shape_cast %reduce_sum3A_82 : vector<8xf32> to vector<1x8xf32>
    %add3A_84 = arith.addf %add3A_75, %broadcast_in_dim3A_83 : vector<1x8xf32>
    %slice3A_85 = vector.extract_strided_slice %add3A_60 {offsets = [256, 0], sizes = [128, 8], strides = [1, 1]} : vector<2048x8xf32> to vector<128x8xf32>
    %dot_general3A_86 = arith.constant dense<0.000000e+00> : vector<128x8xf32>
    %dot_general3A_87 = tpu.matmul %convert_element_type3A_64, %slice3A_85, %dot_general3A_86 {dimension_numbers = #tpu.dot_dimension_numbers<[1], [0], [0], [1], [0, 0, 1, 1], [], []>, transpose_lhs_hint = false} : vector<128x128xf32>, vector<128x8xf32>, vector<128x8xf32> -> vector<128x8xf32>
    %add3A_88 = vector.broadcast %add3A_84 : vector<1x8xf32> to vector<128x8xf32>
    %add3A_89 = arith.addf %dot_general3A_87, %add3A_88 : vector<128x8xf32>
    %reduce_sum3A_90 = arith.constant dense<0.000000e+00> : vector<8xf32>
    %reduce_sum3A_91 = vector.multi_reduction <add>, %slice3A_85, %reduce_sum3A_90 [0] : vector<128x8xf32> to vector<8xf32>
    %broadcast_in_dim3A_92 = vector.shape_cast %reduce_sum3A_91 : vector<8xf32> to vector<1x8xf32>
    %add3A_93 = arith.addf %add3A_84, %broadcast_in_dim3A_92 : vector<1x8xf32>
    %slice3A_94 = vector.extract_strided_slice %add3A_60 {offsets = [384, 0], sizes = [128, 8], strides = [1, 1]} : vector<2048x8xf32> to vector<128x8xf32>
    %dot_general3A_95 = arith.constant dense<0.000000e+00> : vector<128x8xf32>
    %dot_general3A_96 = tpu.matmul %convert_element_type3A_64, %slice3A_94, %dot_general3A_95 {dimension_numbers = #tpu.dot_dimension_numbers<[1], [0], [0], [1], [0, 0, 1, 1], [], []>, transpose_lhs_hint = false} : vector<128x128xf32>, vector<128x8xf32>, vector<128x8xf32> -> vector<128x8xf32>
    %add3A_97 = vector.broadcast %add3A_93 : vector<1x8xf32> to vector<128x8xf32>
    %add3A_98 = arith.addf %dot_general3A_96, %add3A_97 : vector<128x8xf32>
    %reduce_sum3A_99 = arith.constant dense<0.000000e+00> : vector<8xf32>
    %reduce_sum3A_100 = vector.multi_reduction <add>, %slice3A_94, %reduce_sum3A_99 [0] : vector<128x8xf32> to vector<8xf32>
    %broadcast_in_dim3A_101 = vector.shape_cast %reduce_sum3A_100 : vector<8xf32> to vector<1x8xf32>
    %add3A_102 = arith.addf %add3A_93, %broadcast_in_dim3A_101 : vector<1x8xf32>
    %slice3A_103 = vector.extract_strided_slice %add3A_60 {offsets = [512, 0], sizes = [128, 8], strides = [1, 1]} : vector<2048x8xf32> to vector<128x8xf32>
    %dot_general3A_104 = arith.constant dense<0.000000e+00> : vector<128x8xf32>
    %dot_general3A_105 = tpu.matmul %convert_element_type3A_64, %slice3A_103, %dot_general3A_104 {dimension_numbers = #tpu.dot_dimension_numbers<[1], [0], [0], [1], [0, 0, 1, 1], [], []>, transpose_lhs_hint = false} : vector<128x128xf32>, vector<128x8xf32>, vector<128x8xf32> -> vector<128x8xf32>
    %add3A_106 = vector.broadcast %add3A_102 : vector<1x8xf32> to vector<128x8xf32>
    %add3A_107 = arith.addf %dot_general3A_105, %add3A_106 : vector<128x8xf32>
    %reduce_sum3A_108 = arith.constant dense<0.000000e+00> : vector<8xf32>
    %reduce_sum3A_109 = vector.multi_reduction <add>, %slice3A_103, %reduce_sum3A_108 [0] : vector<128x8xf32> to vector<8xf32>
    %broadcast_in_dim3A_110 = vector.shape_cast %reduce_sum3A_109 : vector<8xf32> to vector<1x8xf32>
    %add3A_111 = arith.addf %add3A_102, %broadcast_in_dim3A_110 : vector<1x8xf32>
    %slice3A_112 = vector.extract_strided_slice %add3A_60 {offsets = [640, 0], sizes = [128, 8], strides = [1, 1]} : vector<2048x8xf32> to vector<128x8xf32>
    %dot_general3A_113 = arith.constant dense<0.000000e+00> : vector<128x8xf32>
    %dot_general3A_114 = tpu.matmul %convert_element_type3A_64, %slice3A_112, %dot_general3A_113 {dimension_numbers = #tpu.dot_dimension_numbers<[1], [0], [0], [1], [0, 0, 1, 1], [], []>, transpose_lhs_hint = false} : vector<128x128xf32>, vector<128x8xf32>, vector<128x8xf32> -> vector<128x8xf32>
    %add3A_115 = vector.broadcast %add3A_111 : vector<1x8xf32> to vector<128x8xf32>
    %add3A_116 = arith.addf %dot_general3A_114, %add3A_115 : vector<128x8xf32>
    %reduce_sum3A_117 = arith.constant dense<0.000000e+00> : vector<8xf32>
    %reduce_sum3A_118 = vector.multi_reduction <add>, %slice3A_112, %reduce_sum3A_117 [0] : vector<128x8xf32> to vector<8xf32>
    %broadcast_in_dim3A_119 = vector.shape_cast %reduce_sum3A_118 : vector<8xf32> to vector<1x8xf32>
    %add3A_120 = arith.addf %add3A_111, %broadcast_in_dim3A_119 : vector<1x8xf32>
    %slice3A_121 = vector.extract_strided_slice %add3A_60 {offsets = [768, 0], sizes = [128, 8], strides = [1, 1]} : vector<2048x8xf32> to vector<128x8xf32>
    %dot_general3A_122 = arith.constant dense<0.000000e+00> : vector<128x8xf32>
    %dot_general3A_123 = tpu.matmul %convert_element_type3A_64, %slice3A_121, %dot_general3A_122 {dimension_numbers = #tpu.dot_dimension_numbers<[1], [0], [0], [1], [0, 0, 1, 1], [], []>, transpose_lhs_hint = false} : vector<128x128xf32>, vector<128x8xf32>, vector<128x8xf32> -> vector<128x8xf32>
    %add3A_124 = vector.broadcast %add3A_120 : vector<1x8xf32> to vector<128x8xf32>
    %add3A_125 = arith.addf %dot_general3A_123, %add3A_124 : vector<128x8xf32>
    %reduce_sum3A_126 = arith.constant dense<0.000000e+00> : vector<8xf32>
    %reduce_sum3A_127 = vector.multi_reduction <add>, %slice3A_121, %reduce_sum3A_126 [0] : vector<128x8xf32> to vector<8xf32>
    %broadcast_in_dim3A_128 = vector.shape_cast %reduce_sum3A_127 : vector<8xf32> to vector<1x8xf32>
    %add3A_129 = arith.addf %add3A_120, %broadcast_in_dim3A_128 : vector<1x8xf32>
    %slice3A_130 = vector.extract_strided_slice %add3A_60 {offsets = [896, 0], sizes = [128, 8], strides = [1, 1]} : vector<2048x8xf32> to vector<128x8xf32>
    %dot_general3A_131 = arith.constant dense<0.000000e+00> : vector<128x8xf32>
    %dot_general3A_132 = tpu.matmul %convert_element_type3A_64, %slice3A_130, %dot_general3A_131 {dimension_numbers = #tpu.dot_dimension_numbers<[1], [0], [0], [1], [0, 0, 1, 1], [], []>, transpose_lhs_hint = false} : vector<128x128xf32>, vector<128x8xf32>, vector<128x8xf32> -> vector<128x8xf32>
    %add3A_133 = vector.broadcast %add3A_129 : vector<1x8xf32> to vector<128x8xf32>
    %add3A_134 = arith.addf %dot_general3A_132, %add3A_133 : vector<128x8xf32>
    %reduce_sum3A_135 = arith.constant dense<0.000000e+00> : vector<8xf32>
    %reduce_sum3A_136 = vector.multi_reduction <add>, %slice3A_130, %reduce_sum3A_135 [0] : vector<128x8xf32> to vector<8xf32>
    %broadcast_in_dim3A_137 = vector.shape_cast %reduce_sum3A_136 : vector<8xf32> to vector<1x8xf32>
    %add3A_138 = arith.addf %add3A_129, %broadcast_in_dim3A_137 : vector<1x8xf32>
    %slice3A_139 = vector.extract_strided_slice %add3A_60 {offsets = [1024, 0], sizes = [128, 8], strides = [1, 1]} : vector<2048x8xf32> to vector<128x8xf32>
    %dot_general3A_140 = arith.constant dense<0.000000e+00> : vector<128x8xf32>
    %dot_general3A_141 = tpu.matmul %convert_element_type3A_64, %slice3A_139, %dot_general3A_140 {dimension_numbers = #tpu.dot_dimension_numbers<[1], [0], [0], [1], [0, 0, 1, 1], [], []>, transpose_lhs_hint = false} : vector<128x128xf32>, vector<128x8xf32>, vector<128x8xf32> -> vector<128x8xf32>
    %add3A_142 = vector.broadcast %add3A_138 : vector<1x8xf32> to vector<128x8xf32>
    %add3A_143 = arith.addf %dot_general3A_141, %add3A_142 : vector<128x8xf32>
    %reduce_sum3A_144 = arith.constant dense<0.000000e+00> : vector<8xf32>
    %reduce_sum3A_145 = vector.multi_reduction <add>, %slice3A_139, %reduce_sum3A_144 [0] : vector<128x8xf32> to vector<8xf32>
    %broadcast_in_dim3A_146 = vector.shape_cast %reduce_sum3A_145 : vector<8xf32> to vector<1x8xf32>
    %add3A_147 = arith.addf %add3A_138, %broadcast_in_dim3A_146 : vector<1x8xf32>
    %slice3A_148 = vector.extract_strided_slice %add3A_60 {offsets = [1152, 0], sizes = [128, 8], strides = [1, 1]} : vector<2048x8xf32> to vector<128x8xf32>
    %dot_general3A_149 = arith.constant dense<0.000000e+00> : vector<128x8xf32>
    %dot_general3A_150 = tpu.matmul %convert_element_type3A_64, %slice3A_148, %dot_general3A_149 {dimension_numbers = #tpu.dot_dimension_numbers<[1], [0], [0], [1], [0, 0, 1, 1], [], []>, transpose_lhs_hint = false} : vector<128x128xf32>, vector<128x8xf32>, vector<128x8xf32> -> vector<128x8xf32>
    %add3A_151 = vector.broadcast %add3A_147 : vector<1x8xf32> to vector<128x8xf32>
    %add3A_152 = arith.addf %dot_general3A_150, %add3A_151 : vector<128x8xf32>
    %reduce_sum3A_153 = arith.constant dense<0.000000e+00> : vector<8xf32>
    %reduce_sum3A_154 = vector.multi_reduction <add>, %slice3A_148, %reduce_sum3A_153 [0] : vector<128x8xf32> to vector<8xf32>
    %broadcast_in_dim3A_155 = vector.shape_cast %reduce_sum3A_154 : vector<8xf32> to vector<1x8xf32>
    %add3A_156 = arith.addf %add3A_147, %broadcast_in_dim3A_155 : vector<1x8xf32>
    %slice3A_157 = vector.extract_strided_slice %add3A_60 {offsets = [1280, 0], sizes = [128, 8], strides = [1, 1]} : vector<2048x8xf32> to vector<128x8xf32>
    %dot_general3A_158 = arith.constant dense<0.000000e+00> : vector<128x8xf32>
    %dot_general3A_159 = tpu.matmul %convert_element_type3A_64, %slice3A_157, %dot_general3A_158 {dimension_numbers = #tpu.dot_dimension_numbers<[1], [0], [0], [1], [0, 0, 1, 1], [], []>, transpose_lhs_hint = false} : vector<128x128xf32>, vector<128x8xf32>, vector<128x8xf32> -> vector<128x8xf32>
    %add3A_160 = vector.broadcast %add3A_156 : vector<1x8xf32> to vector<128x8xf32>
    %add3A_161 = arith.addf %dot_general3A_159, %add3A_160 : vector<128x8xf32>
    %reduce_sum3A_162 = arith.constant dense<0.000000e+00> : vector<8xf32>
    %reduce_sum3A_163 = vector.multi_reduction <add>, %slice3A_157, %reduce_sum3A_162 [0] : vector<128x8xf32> to vector<8xf32>
    %broadcast_in_dim3A_164 = vector.shape_cast %reduce_sum3A_163 : vector<8xf32> to vector<1x8xf32>
    %add3A_165 = arith.addf %add3A_156, %broadcast_in_dim3A_164 : vector<1x8xf32>
    %slice3A_166 = vector.extract_strided_slice %add3A_60 {offsets = [1408, 0], sizes = [128, 8], strides = [1, 1]} : vector<2048x8xf32> to vector<128x8xf32>
    %dot_general3A_167 = arith.constant dense<0.000000e+00> : vector<128x8xf32>
    %dot_general3A_168 = tpu.matmul %convert_element_type3A_64, %slice3A_166, %dot_general3A_167 {dimension_numbers = #tpu.dot_dimension_numbers<[1], [0], [0], [1], [0, 0, 1, 1], [], []>, transpose_lhs_hint = false} : vector<128x128xf32>, vector<128x8xf32>, vector<128x8xf32> -> vector<128x8xf32>
    %add3A_169 = vector.broadcast %add3A_165 : vector<1x8xf32> to vector<128x8xf32>
    %add3A_170 = arith.addf %dot_general3A_168, %add3A_169 : vector<128x8xf32>
    %reduce_sum3A_171 = arith.constant dense<0.000000e+00> : vector<8xf32>
    %reduce_sum3A_172 = vector.multi_reduction <add>, %slice3A_166, %reduce_sum3A_171 [0] : vector<128x8xf32> to vector<8xf32>
    %broadcast_in_dim3A_173 = vector.shape_cast %reduce_sum3A_172 : vector<8xf32> to vector<1x8xf32>
    %add3A_174 = arith.addf %add3A_165, %broadcast_in_dim3A_173 : vector<1x8xf32>
    %slice3A_175 = vector.extract_strided_slice %add3A_60 {offsets = [1536, 0], sizes = [128, 8], strides = [1, 1]} : vector<2048x8xf32> to vector<128x8xf32>
    %dot_general3A_176 = arith.constant dense<0.000000e+00> : vector<128x8xf32>
    %dot_general3A_177 = tpu.matmul %convert_element_type3A_64, %slice3A_175, %dot_general3A_176 {dimension_numbers = #tpu.dot_dimension_numbers<[1], [0], [0], [1], [0, 0, 1, 1], [], []>, transpose_lhs_hint = false} : vector<128x128xf32>, vector<128x8xf32>, vector<128x8xf32> -> vector<128x8xf32>
    %add3A_178 = vector.broadcast %add3A_174 : vector<1x8xf32> to vector<128x8xf32>
    %add3A_179 = arith.addf %dot_general3A_177, %add3A_178 : vector<128x8xf32>
    %reduce_sum3A_180 = arith.constant dense<0.000000e+00> : vector<8xf32>
    %reduce_sum3A_181 = vector.multi_reduction <add>, %slice3A_175, %reduce_sum3A_180 [0] : vector<128x8xf32> to vector<8xf32>
    %broadcast_in_dim3A_182 = vector.shape_cast %reduce_sum3A_181 : vector<8xf32> to vector<1x8xf32>
    %add3A_183 = arith.addf %add3A_174, %broadcast_in_dim3A_182 : vector<1x8xf32>
    %slice3A_184 = vector.extract_strided_slice %add3A_60 {offsets = [1664, 0], sizes = [128, 8], strides = [1, 1]} : vector<2048x8xf32> to vector<128x8xf32>
    %dot_general3A_185 = arith.constant dense<0.000000e+00> : vector<128x8xf32>
    %dot_general3A_186 = tpu.matmul %convert_element_type3A_64, %slice3A_184, %dot_general3A_185 {dimension_numbers = #tpu.dot_dimension_numbers<[1], [0], [0], [1], [0, 0, 1, 1], [], []>, transpose_lhs_hint = false} : vector<128x128xf32>, vector<128x8xf32>, vector<128x8xf32> -> vector<128x8xf32>
    %add3A_187 = vector.broadcast %add3A_183 : vector<1x8xf32> to vector<128x8xf32>
    %add3A_188 = arith.addf %dot_general3A_186, %add3A_187 : vector<128x8xf32>
    %reduce_sum3A_189 = arith.constant dense<0.000000e+00> : vector<8xf32>
    %reduce_sum3A_190 = vector.multi_reduction <add>, %slice3A_184, %reduce_sum3A_189 [0] : vector<128x8xf32> to vector<8xf32>
    %broadcast_in_dim3A_191 = vector.shape_cast %reduce_sum3A_190 : vector<8xf32> to vector<1x8xf32>
    %add3A_192 = arith.addf %add3A_183, %broadcast_in_dim3A_191 : vector<1x8xf32>
    %slice3A_193 = vector.extract_strided_slice %add3A_60 {offsets = [1792, 0], sizes = [128, 8], strides = [1, 1]} : vector<2048x8xf32> to vector<128x8xf32>
    %dot_general3A_194 = arith.constant dense<0.000000e+00> : vector<128x8xf32>
    %dot_general3A_195 = tpu.matmul %convert_element_type3A_64, %slice3A_193, %dot_general3A_194 {dimension_numbers = #tpu.dot_dimension_numbers<[1], [0], [0], [1], [0, 0, 1, 1], [], []>, transpose_lhs_hint = false} : vector<128x128xf32>, vector<128x8xf32>, vector<128x8xf32> -> vector<128x8xf32>
    %add3A_196 = vector.broadcast %add3A_192 : vector<1x8xf32> to vector<128x8xf32>
    %add3A_197 = arith.addf %dot_general3A_195, %add3A_196 : vector<128x8xf32>
    %reduce_sum3A_198 = arith.constant dense<0.000000e+00> : vector<8xf32>
    %reduce_sum3A_199 = vector.multi_reduction <add>, %slice3A_193, %reduce_sum3A_198 [0] : vector<128x8xf32> to vector<8xf32>
    %broadcast_in_dim3A_200 = vector.shape_cast %reduce_sum3A_199 : vector<8xf32> to vector<1x8xf32>
    %add3A_201 = arith.addf %add3A_192, %broadcast_in_dim3A_200 : vector<1x8xf32>
    %slice3A_202 = vector.extract_strided_slice %add3A_60 {offsets = [1920, 0], sizes = [128, 8], strides = [1, 1]} : vector<2048x8xf32> to vector<128x8xf32>
    %dot_general3A_203 = arith.constant dense<0.000000e+00> : vector<128x8xf32>
    %dot_general3A_204 = tpu.matmul %convert_element_type3A_64, %slice3A_202, %dot_general3A_203 {dimension_numbers = #tpu.dot_dimension_numbers<[1], [0], [0], [1], [0, 0, 1, 1], [], []>, transpose_lhs_hint = false} : vector<128x128xf32>, vector<128x8xf32>, vector<128x8xf32> -> vector<128x8xf32>
    %add3A_205 = vector.broadcast %add3A_201 : vector<1x8xf32> to vector<128x8xf32>
    %add3A_206 = arith.addf %dot_general3A_204, %add3A_205 : vector<128x8xf32>
    %reduce_sum3A_207 = arith.constant dense<0.000000e+00> : vector<8xf32>
    %reduce_sum3A_208 = vector.multi_reduction <add>, %slice3A_202, %reduce_sum3A_207 [0] : vector<128x8xf32> to vector<8xf32>
    %broadcast_in_dim3A_209 = vector.shape_cast %reduce_sum3A_208 : vector<8xf32> to vector<1x8xf32>
    %add3A_210 = arith.addf %add3A_201, %broadcast_in_dim3A_209 : vector<1x8xf32>
    %concatenate3A = tpu.concatenate %add3A_71, %add3A_80, %add3A_89, %add3A_98, %add3A_107, %add3A_116, %add3A_125, %add3A_134, %add3A_143, %add3A_152, %add3A_161, %add3A_170, %add3A_179, %add3A_188, %add3A_197, %add3A_206 in 0 : vector<128x8xf32>, vector<128x8xf32>, vector<128x8xf32>, vector<128x8xf32>, vector<128x8xf32>, vector<128x8xf32>, vector<128x8xf32>, vector<128x8xf32>, vector<128x8xf32>, vector<128x8xf32>, vector<128x8xf32>, vector<128x8xf32>, vector<128x8xf32>, vector<128x8xf32>, vector<128x8xf32>, vector<128x8xf32> -> vector<2048x8xf32>
    %add3A_211 = arith.constant 5.110000e+02 : f32
    %add3A_212 = vector.broadcast %add3A_211 : f32 to vector<1x8xf32>
    %add3A_213 = arith.addf %add3A_210, %add3A_212 : vector<1x8xf32>
    %mul3A = arith.constant 0.001953125 : f32
    %mul3A_214 = vector.broadcast %mul3A : f32 to vector<1x8xf32>
    %mul3A_215 = arith.mulf %add3A_213, %mul3A_214 : vector<1x8xf32>
    %floor3A = math.floor %mul3A_215 : vector<1x8xf32>
    %iota3A_216 = tpu.iota {dimensions = array<i32: 0>} : vector<8x8xi32>
    %iota3A_217 = tpu.iota {dimensions = array<i32: 1>} : vector<8x8xi32>
    %lt3A_218 = arith.cmpi slt, %iota3A_216, %iota3A_217 : vector<8x8xi32>
    %convert_element_type3A_219 = arith.extui %lt3A_218 : vector<8x8xi1> to vector<8x8xi32>
    %convert_element_type3A_220 = arith.sitofp %convert_element_type3A_219 : vector<8x8xi32> to vector<8x8xf32>
    %dot_general3A_221 = arith.constant dense<0.000000e+00> : vector<1x8xf32>
    %dot_general3A_222 = tpu.matmul %floor3A, %convert_element_type3A_220, %dot_general3A_221 {dimension_numbers = #tpu.dot_dimension_numbers<[1], [0], [0], [1], [0, 0, 1, 1], [], []>, transpose_lhs_hint = false} : vector<1x8xf32>, vector<8x8xf32>, vector<1x8xf32> -> vector<1x8xf32>
    %mul3A_223 = arith.constant 5.120000e+02 : f32
    %mul3A_224 = vector.broadcast %mul3A_223 : f32 to vector<1x8xf32>
    %mul3A_225 = arith.mulf %dot_general3A_222, %mul3A_224 : vector<1x8xf32>
    %reduce_sum3A_226 = arith.constant dense<0.000000e+00> : vector<1xf32>
    %reduce_sum3A_227 = vector.multi_reduction <add>, %floor3A, %reduce_sum3A_226 [1] : vector<1x8xf32> to vector<1xf32>
    %broadcast_in_dim3A_228 = vector.shape_cast %reduce_sum3A_227 : vector<1xf32> to vector<1x1xf32>
    %add3A_229 = vector.broadcast %mul3A_225 : vector<1x8xf32> to vector<2048x8xf32>
    %add3A_230 = arith.addf %add3A_229, %concatenate3A : vector<2048x8xf32>
    %mul3A_231 = arith.mulf %convert_element_type3A_55, %add3A_230 : vector<2048x8xf32>
    %reduce_sum3A_232 = arith.constant dense<0.000000e+00> : vector<2048xf32>
    %reduce_sum3A_233 = vector.multi_reduction <add>, %mul3A_231, %reduce_sum3A_232 [1] : vector<2048x8xf32> to vector<2048xf32>
    %broadcast_in_dim3A_234 = vector.shape_cast %reduce_sum3A_233 : vector<2048xf32> to vector<2048x1xf32>
    %mul3A_235 = arith.mulf %convert_element_type3A_59, %add3A_230 : vector<2048x8xf32>
    %reduce_sum3A_236 = arith.constant dense<0.000000e+00> : vector<2048xf32>
    %reduce_sum3A_237 = vector.multi_reduction <add>, %mul3A_235, %reduce_sum3A_236 [1] : vector<2048x8xf32> to vector<2048xf32>
    %broadcast_in_dim3A_238 = vector.shape_cast %reduce_sum3A_237 : vector<2048xf32> to vector<2048x1xf32>
    %concatenate3A_239 = tpu.concatenate %broadcast_in_dim3A_234, %broadcast_in_dim3A_238 in 1 : vector<2048x1xf32>, vector<2048x1xf32> -> vector<2048x2xf32>
    %convert_element_type3A_240 = arith.fptosi %concatenate3A_239 : vector<2048x2xf32> to vector<2048x2xi32>
    %swap3A_241 = arith.constant 0 : index
    %swap3A_242 = arith.constant 0 : index
    %swap3A_243 = vector.load %arg2[%swap3A_241, %swap3A_242] : memref<2048x2xi32, #tpu.memory_space<vmem>>, vector<2048x2xi32>
    tpu.vector_store %arg2[%swap3A_241, %swap3A_242], %convert_element_type3A_240 {strides = array<i32>} : memref<2048x2xi32, #tpu.memory_space<vmem>>, vector<2048x2xi32>,
    %iota3A_244 = tpu.iota {dimensions = array<i32: 0>} : vector<15x1xi32>
    %convert_element_type3A_245 = arith.fptosi %broadcast_in_dim3A_228 : vector<1x1xf32> to vector<1x1xi32>
    %sub3A_246 = arith.constant 1 : i32
    %sub3A_247 = vector.broadcast %sub3A_246 : i32 to vector<1x1xi32>
    %sub3A_248 = arith.subi %convert_element_type3A_245, %sub3A_247 : vector<1x1xi32>
    %min3A = vector.broadcast %sub3A_248 : vector<1x1xi32> to vector<15x1xi32>
    %min3A_249 = arith.minsi %iota3A_244, %min3A : vector<15x1xi32>
    %convert_element_type3A_250 = arith.fptosi %dot_general3A_222 : vector<1x8xf32> to vector<1x8xi32>
    %ge3A = vector.broadcast %min3A_249 : vector<15x1xi32> to vector<15x8xi32>
    %ge3A_251 = vector.broadcast %convert_element_type3A_250 : vector<1x8xi32> to vector<15x8xi32>
    %ge3A_252 = arith.cmpi sge, %ge3A, %ge3A_251 : vector<15x8xi32>
    %convert_element_type3A_253 = arith.extui %ge3A_252 : vector<15x8xi1> to vector<15x8xi32>
    %reduce_sum3A_254 = arith.constant dense<0> : vector<15xi32>
    %reduce_sum3A_255 = vector.multi_reduction <add>, %convert_element_type3A_253, %reduce_sum3A_254 [1] : vector<15x8xi32> to vector<15xi32>
    %broadcast_in_dim3A_256 = vector.shape_cast %reduce_sum3A_255 : vector<15xi32> to vector<15x1xi32>
    %sub3A_257 = arith.constant 1 : i32
    %sub3A_258 = vector.broadcast %sub3A_257 : i32 to vector<15x1xi32>
    %sub3A_259 = arith.subi %broadcast_in_dim3A_256, %sub3A_258 : vector<15x1xi32>
    %lt3A_260 = vector.broadcast %convert_element_type3A_245 : vector<1x1xi32> to vector<15x1xi32>
    %lt3A_261 = arith.cmpi slt, %iota3A_244, %lt3A_260 : vector<15x1xi32>
    %convert_element_type3A_262 = arith.extui %lt3A_261 : vector<15x1xi1> to vector<15x1xi32>
    %eq3A_263 = arith.constant 1 : i32
    %eq3A_264 = vector.broadcast %eq3A_263 : i32 to vector<15x1xi32>
    %eq3A_265 = arith.cmpi eq, %convert_element_type3A_262, %eq3A_264 : vector<15x1xi32>
    %jit3A_266 = arith.constant 15 : i32
    %broadcast_in_dim3A_267 = vector.broadcast %jit3A_266 : i32 to vector<15x1xi32>
    %select_n3A_268 = arith.select %eq3A_265, %iota3A_244, %broadcast_in_dim3A_267 : vector<15x1xi1>, vector<15x1xi32>
    %concatenate3A_269 = tpu.concatenate %sub3A_259, %min3A_249, %select_n3A_268, %convert_element_type3A_262 in 1 : vector<15x1xi32>, vector<15x1xi32>, vector<15x1xi32>, vector<15x1xi32> -> vector<15x4xi32>
    %swap3A_270 = arith.constant 0 : index
    %swap3A_271 = arith.constant 0 : index
    %swap3A_272 = vector.load %arg6[%swap3A_270, %swap3A_271] : memref<15x4xi32, #tpu.memory_space<vmem>>, vector<15x4xi32>
    tpu.vector_store %arg6[%swap3A_270, %swap3A_271], %concatenate3A_269 {strides = array<i32>} : memref<15x4xi32, #tpu.memory_space<vmem>>, vector<15x4xi32>,
    return
  }
}

</mosaic_0001>

<sc_bundles>
// kernel: kernel.10.cloned.1.call-start
scs
__scs_entry_jumppad:
0x0: {  	(pc) =	sbr.rel $0x88, $3  }
0x1: {  	(tag) =	ssettag $0x0;
	lr =	simm.s32 $0x1  }
0x2: {  	[smem:$0x3F99] =	sst lr;
	_ =	strace $0xD0000000  }
0x3: {  	_ = 	snop  }
0x4: {  	_ = 	snop  }
0x5: {  	_ = 	snop  }
0x6: {  	_ = 	snop  }
0x7: {  	_ = 	snop  }
__scs_overlays_trampoline_lowered:
0x8: {  	[smem:$0x3FA8] =	sst s0  }
0x9: {  	[smem:$0x3FA9] =	sst s1  }
0xa: {  	[smem:$0x3FAA] =	sst s2  }
0xb: {  	[smem:$0x3FAB] =	sst s3  }
0xc: {  	[smem:$0x3FAC] =	sst s4  }
0xd: {  	[smem:$0x3FAD] =	sst s5  }
0xe: {  	[smem:$0x3FAE] =	sst s6  }
0xf: {  	[smem:$0x3FAF] =	sst s7  }
0x10: {  	[smem:$0x3FB0] =	sst s8  }
0x11: {  	[smem:$0x3FB1] =	sst s9;
	s0 =	simm.s32 @!p0 $0x0  }
0x12: {  	s1 =	sld [smem:$0x3F97];
	s0 =	simm.s32 @p0 $0x1  }
0x13: {  	[smem:$0x3FB2] =	sst s0;
	s0 =	simm.s32 @!p1 $0x0  }
0x14: {  	s2 =	sld [smem:$0x3F96];
	s0 =	simm.s32 @p1 $0x1  }
0x15: {  	[smem:$0x3FB3] =	sst s0;
	s0 =	simm.s32 @!p2 $0x0  }
0x16: {  	s3 =	sld [smem:$0x3FDB];
	s0 =	simm.s32 @p2 $0x1  }
0x17: {  	s4 =	simm.s32 $0x1BF5;
	[smem:$0x3FB5] =	sst s0  }
0x18: {  	s0 =	sld [smem:$0x3F98];
	_ =	swait.ge [sflag:s4], $0x0  }
0x19: {  	s7 =	sld [smem:$0x3F99]  }
0x1a: {  	s8 =	sadd.s32 $0xFFFFE003, lr  }
0x1b: {  	s9 =	sadd.s32 $0xFFFFFEF7, lr;
	s5 =	simm.s32 $0xFFFFFFFF;
	p2 =	slt.u32 s8, $0xFFFFF086  }
0x1c: {  	p1 =	slt.u32 s9, $0xF7A;
	s5 =	simm.s32 @!p2 $0x0  }
0x1d: {  	s5 =	simm.s32 @p1 $0x1;
	p0 =	seq.s32 s7, s2  }
0x1e: {  	s7 =	smul.u32 @!p0 $0xF7A, s2;
	p2 =	seq.s32 @!p0 s5, $0x0  }
0x1f: {  	s9 =	smul.u32 $0xF7A, s1;
	s8 =	simm.s32 @!p0 $0x1BF5;
	p2 =	por !p2, p0  }
0x20: {  	[sflag:s8] =	ssyncset.s32 @!p0 $0xFFFFF086;
	s6 =	sadd.s32 @!p0 s3, s7;
	s7 =	simm.s32 @!p0 $0x108  }
0x21: {  	s3 =	sadd.s32 s3, s9;
	s6 =	sadd.s32 @!p0 $0x88, s6;
	s7 =	simm.s32 @p2 $0x1082  }
0x22: {  	[simem:s7], [sflag:s8] =	dma.local @!p0 [hbm:s6], $0xF7A  }
0x23: {  	s9 =	sor.u32 $0xD0000000, s2;
	s6 =	simm.s32 $0x108;
	_ =	swait.ge @!p0 [sflag:s8], $0x0  }
0x24: {  	s3 =	sadd.s32 $0x88, s3;
	s6 =	simm.s32 @!p1 $0x1082;
	[sflag:s4] =	ssyncset.s32 $0xFFFFF086  }
0x25: {  	[simem:s6], [sflag:s4] =	dma.local [hbm:s3], $0xF7A  }
0x26: {  	[smem:$0x3F99] =	sst s1;
	(tag) =	ssettag s2;
	_ =	strace s9  }
0x27: {  	s1 =	sld [smem:$0x3FA9]  }
0x28: {  	s2 =	sld [smem:$0x3FAA]  }
0x29: {  	s4 =	sld [smem:$0x3FAC]  }
0x2a: {  	p0 =	seq.s32 s5, $0x0;
	s5 =	sld [smem:$0x3FAD]  }
0x2b: {  	s6 =	sld [smem:$0x3FAE]  }
0x2c: {  	s7 =	sld [smem:$0x3FAF]  }
0x2d: {  	s3 =	simm.s32 $0x108;
	s8 =	sld [smem:$0x3FB0]  }
0x2e: {  	s3 =	simm.s32 @!p0 $0x1082;
	s9 =	sld [smem:$0x3FB1]  }
0x2f: {  	lr =	sadd.s32 s0, s3;
	s0 =	sld [smem:$0x3FA8]  }
0x30: {  	s3 =	sld [smem:$0x3FAB]  }
0x31: {  	[smem:$0x3FB4] =	sst s10  }
0x32: {  	s10 =	sld [smem:$0x3FB2];
	_ =	sdelay $0x3  }
0x33: {  	p0 =	seq.s32 s10, $0x1;
	s10 =	sld [smem:$0x3FB4];
	_ =	sdelay $0x3  }
0x34: {  	[smem:$0x3FB4] =	sst s10  }
0x35: {  	s10 =	sld [smem:$0x3FB3];
	_ =	sdelay $0x3  }
0x36: {  	p1 =	seq.s32 s10, $0x1;
	s10 =	sld [smem:$0x3FB4];
	_ =	sdelay $0x3  }
0x37: {  	[smem:$0x3FB4] =	sst s10  }
0x38: {  	s10 =	sld [smem:$0x3FB5]  }
0x39: {  	_ = 	snop;
	(pc) =	sbr.ind lr, $3  }
0x3a: {  	_ = 	snop  }
0x3b: {  	_ = 	snop  }
0x3c: {  	p2 =	seq.s32 s10, $0x1;
	s10 =	sld [smem:$0x3FB4]  }
0x3d: {  	_ =	shalt  }
0x3e: {  	_ =	shalt  }
0x3f: {  	_ =	shalt  }
0x40: {  	_ =	shalt  }
0x41: {  	_ =	shalt  }
0x42: {  	_ =	shalt  }
0x43: {  	_ =	shalt  }
0x44: {  	_ =	shalt  }
0x45: {  	_ =	shalt  }
0x46: {  	_ =	shalt  }
0x47: {  	_ =	shalt  }
0x48: {  	_ =	shalt  }
0x49: {  	_ =	shalt  }
0x4a: {  	_ =	shalt  }
0x4b: {  	_ =	shalt  }
0x4c: {  	_ =	shalt  }
0x4d: {  	_ =	shalt  }
0x4e: {  	_ =	shalt  }
0x4f: {  	_ =	shalt  }
0x50: {  	_ =	shalt  }
0x51: {  	_ =	shalt  }
0x52: {  	_ =	shalt  }
0x53: {  	_ =	shalt  }
0x54: {  	_ =	shalt  }
0x55: {  	_ =	shalt  }
0x56: {  	_ =	shalt  }
0x57: {  	_ =	shalt  }
0x58: {  	_ =	shalt  }
0x59: {  	_ =	shalt  }
0x5a: {  	_ =	shalt  }
0x5b: {  	_ =	shalt  }
0x5c: {  	_ =	shalt  }
0x5d: {  	_ =	shalt  }
0x5e: {  	_ =	shalt  }
0x5f: {  	_ =	shalt  }
0x60: {  	_ =	shalt  }
0x61: {  	_ =	shalt  }
0x62: {  	_ =	shalt  }
0x63: {  	_ =	shalt  }
0x64: {  	_ =	shalt  }
0x65: {  	_ =	shalt  }
0x66: {  	_ =	shalt  }
0x67: {  	_ =	shalt  }
0x68: {  	_ =	shalt  }
0x69: {  	_ =	shalt  }
0x6a: {  	_ =	shalt  }
0x6b: {  	_ =	shalt  }
0x6c: {  	_ =	shalt  }
0x6d: {  	_ =	shalt  }
0x6e: {  	_ =	shalt  }
0x6f: {  	_ =	shalt  }
0x70: {  	_ =	shalt  }
0x71: {  	_ =	shalt  }
0x72: {  	_ =	shalt  }
0x73: {  	_ =	shalt  }
0x74: {  	_ =	shalt  }
0x75: {  	_ =	shalt  }
0x76: {  	_ =	shalt  }
0x77: {  	_ =	shalt  }
0x78: {  	_ =	shalt  }
0x79: {  	_ =	shalt  }
0x7a: {  	_ =	shalt  }
0x7b: {  	_ =	shalt  }
0x7c: {  	_ =	shalt  }
0x7d: {  	_ =	shalt  }
0x7e: {  	_ =	shalt  }
0x7f: {  	_ =	shalt  }
0x80: {  	_ =	shalt  }
0x81: {  	_ =	shalt  }
0x82: {  	_ =	shalt  }
0x83: {  	_ =	shalt  }
0x84: {  	_ =	shalt  }
0x85: {  	_ =	shalt  }
0x86: {  	_ =	shalt  }
0x87: {  	_ =	shalt  }
.Lfunc_end0:
.L_simem_size_0:
called_computation.1_lowered:
.L_overlay_start_0:
0x88: {  	s2 =	sld [smem:$0x3FD9]  }
0x89: {  	s3 =	sld [smem:$0x3FFE];
	_ =	sdelay $0x1  }
0x8a: {  	s1 =	srdreg.scid  }
0x8b: {  	s0 =	sand.u32 $0x1, s1  }
0x8c: {  	s16 =	sshll.u32 s0, $0xA;
	s2 =	sadd.s32 s3, s2  }
0x8d: {  	s2 =	sadd.s32 s2, s16  }
0x8e: {  	[smem:$0x3FC0] =	sst s2  }
0x8f: {  	_ = 	snop  }
0x90: {  	(tm) =	ssettm $0x1  }
0x91: {  	s17 =	sld [smem:$0x3FFB];
	_ =	sdelay $0x3  }
0x92: {  	_ =	strace s17  }
0x93: {  	s2 =	sld [smem:$0x3FFC];
	_ =	sdelay $0x3  }
0x94: {  	_ =	strace s2  }
0x95: {  	s2 =	sld [smem:$0x3FFD];
	_ =	sdelay $0x3  }
0x96: {  	_ =	strace s2  }
0x97: {  	_ =	strace $0x8FFFFFFF  }
0x98: {  	s18 =	sld [smem:$0x3FDB];
	_ =	sdelay $0x1  }
0x99: {  	s19 =	simm.s32 $_scs_section_size  }
0x9a: {  	s4 =	simm.s32 $_size__tile_overlayer_lowered;
	s5 =	simm.s32 $_tile_overlayer_lowered  }
0x9b: {  	s22 =	simm.s32 $0x1BFF;
	s21 =	sshll.u32 s5, $0x1;
	s2 =	sadd.s32 s19, s18  }
0x9c: {  	s6 =	simm.s32 $0x0;
	s20 =	sshll.u32 s4, $0x1;
	s4 =	sadd.s32 s21, s2  }
0x9d: {  	[timem:s6], [sflag:s22] =	dma.local [hbm:s4], s20  }
0x9e: {  	_ =	swait.ge [sflag:s22], s20  }
0x9f: {  	s3 =	ssub.s32 $0x0, s20;
	[sflag:s22] =	ssyncset.done $0x0  }
0xa0: {  	[sflag:s22] =	ssyncadd.s32 s3;
	_ =	sdelay $0x1  }
0xa1: {  	s23 =	simm.s32 $0x1B8B  }
0xa2: {  	_ =	swait.ge [sflag:s23], $0x1  }
0xa3: {  	[sflag:s23] =	ssyncset.done $0x0  }
0xa4: {  	s25 =	simm.s32 $0x1B8E;
	s24 =	sld [smem:$0x3FFE];
	[sflag:s23] =	ssyncadd.s32 $0xFFFFFFFF  }
0xa5: {  	s26 =	simm.s32 $execute0_lowered;
	[smem:$0x3FD2] =	sst s25  }
0xa6: {  	s4 =	sshll.u32 s26, $0x1;
	_ =	strace $0x80000049;
	[dreg:$0x1] =	wrdreg $0xFFFFFFFF  }
0xa7: {  	s28 =	simm.s32 $_size_execute0_lowered;
	s2 =	sadd.s32 s2, s4;
	[dreg:$0x0] =	wrdreg $0x0  }
0xa8: {  	s4 =	sshll.u32 s28, $0x1;
	[dreg:$0x2] =	wrdreg s2  }
0xa9: {  	[dreg:$0x3] =	wrdreg s4  }
0xaa: {  	[dreg:$0x4] =	wrdreg $0xC0  }
0xab: {  	_ =	task [dreg:s6], $0x5FFFF  }
0xac: {  	[dreg:$0x1] =	wrdreg $0xFFFFFFFF  }
0xad: {  	[dreg:$0x0] =	wrdreg $0x60  }
0xae: {  	[dreg:$0x2] =	wrdreg s24  }
0xaf: {  	[dreg:$0x3] =	wrdreg $0x9  }
0xb0: {  	_ =	task.clear_ibuf [dreg:s6], $0x4FFFF;
	_ =	strace $0x90000049  }
0xb1: {  	s29 =	simm.s32 $0x9;
	_ =	strace $0x8000004B  }
0xb2: {  	_ =	swait.ge [sflag:s29], $0x1  }
0xb3: {  	[sflag:s29] =	ssyncadd.s32 $0xFFFFFFFF  }
0xb4: {  	_ =	strace $0x9000004B  }
0xb5: {  	_ =	sfence  }
0xb6: {  	s30 =	sld [smem:$0x0];
	_ =	sdelay $0x2  }
0xb7: {  	s31 =	sshll.u32 s1, $0xD;
	s1 =	sshrl.u32 s1, $0x2  }
0xb8: {  	s3 =	sand.u32 $0x4000, s31;
	s1 =	sadd.s32 s1, s30  }
0xb9: {  	s0 =	sor.u32 s3, s0;
	s1 =	sshll.u32 s1, $0x11  }
0xba: {  	s0 =	sor.u32 s1, s0  }
0xbb: {  	s0 =	sadd.s32 $0x8F2B, s0  }
0xbc: {  	[sflag:s0] =	ssyncadd.remote.s32 $0x1  }
0xbd: {  	_ =	sfence.sel $0xFFFF  }
0xbe: {  	[dreg:$0x0] =	wrdreg $0xFFFFFFFF;
	(pc) =	sbr.abs _section_cstart, $3  }
0xbf: {  	[dreg:$0x1] =	wrdreg $0xFFFFFFFF  }
0xc0: {  	_ =	task.clear_ibuf [dreg:s6], $0x2FFFF;
	_ =	strace $0x9FFFFFFF  }
0xc1: {  	(tm) =	ssettm $0x7FFFFFFF  }
tec
execute0_lowered:
.L_overlay_start_1:
0x0: {  	(tag) =	ssettag $0x1  }
0x1: {  	s1 =	srdreg.scid;
	s0 =	stileid.u32  }
0x2: {  	s4 =	rddreg [dreg:$0x0];
	s2 =	simm.s32 $0x0;
	s18 =	simm.s32 $0x880  }
0x3: {  	s19 =	simm.s32 $0x1080;
	s20 =	simm.s32 $0x1880;
	s21 =	simm.s32 $0x2080  }
0x4: {  	s23 =	simm.s32 $0x2880;
	s24 =	simm.s32 $0x3080;
	s25 =	simm.s32 $0x3880  }
0x5: {  	s26 =	simm.s32 $0x4080;
	s7 =	simm.s32 $0x80;
	s9 =	simm.s32 $0x5080  }
0x6: {  	s10 =	simm.s32 $0x5880;
	s11 =	simm.s32 $0x6080;
	[smem:$0x7FF] =	sst s2  }
0x7: {  	s12 =	simm.s32 $0x6880;
	_ =	strace $0x8000004A;
	[dreg:$0x4] =	wrdreg s18  }
0x8: {  	s13 =	simm.s32 $0x7080;
	s14 =	simm.s32 $0x7880;
	[dreg:$0x5] =	wrdreg s19  }
0x9: {  	s15 =	simm.s32 $0x8080;
	s16 =	simm.s32 $0x8880;
	[dreg:$0x6] =	wrdreg s20  }
0xa: {  	s17 =	simm.s32 $0x9080;
	s28 =	simm.s32 $0xE080;
	[dreg:$0x7] =	wrdreg s21  }
0xb: {  	s29 =	simm.s32 $0xE880;
	s30 =	simm.s32 $0xF080;
	[dreg:$0x8] =	wrdreg s23  }
0xc: {  	s31 =	simm.s32 $0xF880;
	s1 =	sand.u32 $0x1, s1;
	[dreg:$0x9] =	wrdreg s24  }
0xd: {  	s3 =	sshll.u32 s0, $0x1;
	p0 =	slt.u32 s0, $0x8;
	[dreg:$0xa] =	wrdreg s25  }
0xe: {  	s3 =	sor.u32 s1, s3;
	s1 =	ssub.s32 $0x2, s1;
	[dreg:$0xb] =	wrdreg s26  }
0xf: {  	s18 =	simm.s32 $0x9880;
	s19 =	simm.s32 $0xA080;
	s20 =	simm.s32 $0xA880  }
0x10: {  	s21 =	simm.s32 $0xB080;
	s23 =	simm.s32 $0xC080;
	s24 =	simm.s32 $0xC880  }
0x11: {  	s25 =	simm.s32 $0xD080;
	s26 =	simm.s32 $0xD880;
	s5 =	sshll.u32 s3, $0x10  }
0x12: {  	s6 =	sshll.u32 s3, $0x4;
	s3 =	sshll.u32 s3, $0xD;
	s22 =	sshrl.u32 s1, $0x1  }
0x13: {  	s5 =	sadd.s32 $0xFFF00000, s5;
	s6 =	sadd.s32 s6, s4;
	s3 =	sadd.s32 s3, s4  }
0x14: {  	s1 =	ssub.s32 s1, s22;
	s22 =	simm.s32 $0xB880;
	s5 =	sshrl.u32 s5, $0x3  }
0x15: {  	s6 =	sadd.s32 $0x1A00, s6;
	s3 =	sadd.s32 $0x81C00, s3;
	s5 =	sadd.s32 s5, s4  }
0x16: {  	v2 =	vlaneseq.u32;
	[dreg:$0x2] =	wrdreg s6;
	s6 =	simm.s32 $0x2;
	s5 =	sadd.s32 $0xA1C00, s5  }
0x17: {  	vm0 =	vmmov $0xffff;
	v1 =	vshrl.u32 v2, $0x3;
	s5 =	smov.u32 @p0 s3;
	s3 =	sadd.s32 $0x1C00, s4;
	s4 =	sadd.s32 $0x1D00, s4  }
0x18: {  	v0 =	vand.u32 $0x7, v2;
	v2 =	vor.u32 $0x8, v2;
	v1 =	vmul.u32 $0x8, v1;
	[dreg:$0x3] =	wrdreg s5;
	s5 =	smax.u32 s1, $0x1;
	s1 =	simm.s32 $0x1  }
.LBB2_1:
0x19: {  	s0 =	rddreg [dreg:$0x2]  }
0x1a: {  	[tilespmem:s2], [sflag:$0x2] =	stream.linear.gather [hbm4b:s0+s2], $0x80, $0x38;
	[tilespmem:$0x10080] =	vst v63  }
0x1b: {  	_ =	swait.ge [sflag:s6], $0x80  }
0x1c: {  	[sflag:s6] =	ssyncset.done $0x0  }
0x1d: {  	[sflag:s6] =	ssyncadd.s32 $0xFFFFFF80  }
0x1e: {  	v3 =	vld [tilespmem:$0x0];
	_ =	sdelay $0x4  }
0x1f: {  	v4 =	vshll.u32 v3, $0x2  }
0x20: {  	v3 =	vand.u32 $0x7, v3;
	v4 =	vand.u32 $0xFFFFFFE0, v4  }
0x21: {  	v3 =	vor.u32 v3, v4  }
0x22: {  	v4 =	vperm.xlane v3, v0;
	_ =	sdelay $0x1  }
0x23: {  	v4 =	vadd.s32 v1, v4;
	_ =	sdelay $0x1  }
0x24: {  	v3 =	vperm.xlane v3, v2;
	_ =	sdelay $0x1  }
0x25: {  	v3 =	vadd.s32 v1, v3  }
0x26: {  	[tilespmem:s7], [sflag:$0x1] =	stream.indirect_vreg.gather [hbm4b:s3+s2], $0x80, v4, vm0, $0xb8;
	[tilespmem:$0x10080] =	vst v63  }
0x27: {  	s0 =	rddreg [dreg:$0x4]  }
0x28: {  	[tilespmem:s0], [sflag:$0x1] =	stream.indirect_vreg.gather [hbm4b:s4+s2], $0x80, v4, vm0, $0xb8;
	[tilespmem:$0x10080] =	vst v63  }
0x29: {  	s8 =	rddreg [dreg:$0x5]  }
0x2a: {  	[tilespmem:s8], [sflag:$0x1] =	stream.indirect_vreg.gather [hbm4b:s3+s2], $0x80, v3, vm0, $0xb8;
	[tilespmem:$0x10080] =	vst v63  }
0x2b: {  	s0 =	rddreg [dreg:$0x6]  }
0x2c: {  	[tilespmem:s0], [sflag:$0x1] =	stream.indirect_vreg.gather [hbm4b:s4+s2], $0x80, v3, vm0, $0xb8;
	[tilespmem:$0x10080] =	vst v63  }
0x2d: {  	v3 =	vld [tilespmem:$0x10];
	_ =	sdelay $0x4  }
0x2e: {  	v57 =	vshll.u32 v3, $0x2  }
0x2f: {  	v3 =	vand.u32 $0x7, v3;
	v4 =	vand.u32 $0xFFFFFFE0, v57  }
0x30: {  	v3 =	vor.u32 v3, v4  }
0x31: {  	v4 =	vperm.xlane v3, v0;
	_ =	sdelay $0x1  }
0x32: {  	v4 =	vadd.s32 v1, v4;
	_ =	sdelay $0x1  }
0x33: {  	v3 =	vperm.xlane v3, v2;
	_ =	sdelay $0x1  }
0x34: {  	s0 =	rddreg [dreg:$0x7];
	v3 =	vadd.s32 v1, v3  }
0x35: {  	[tilespmem:s0], [sflag:$0x1] =	stream.indirect_vreg.gather [hbm4b:s3+s2], $0x80, v4, vm0, $0xb8;
	[tilespmem:$0x10080] =	vst v63  }
0x36: {  	s8 =	rddreg [dreg:$0x8]  }
0x37: {  	[tilespmem:s8], [sflag:$0x1] =	stream.indirect_vreg.gather [hbm4b:s4+s2], $0x80, v4, vm0, $0xb8;
	[tilespmem:$0x10080] =	vst v63  }
0x38: {  	s0 =	rddreg [dreg:$0x9]  }
0x39: {  	[tilespmem:s0], [sflag:$0x1] =	stream.indirect_vreg.gather [hbm4b:s3+s2], $0x80, v3, vm0, $0xb8;
	[tilespmem:$0x10080] =	vst v63  }
0x3a: {  	s8 =	rddreg [dreg:$0xa]  }
0x3b: {  	[tilespmem:s8], [sflag:$0x1] =	stream.indirect_vreg.gather [hbm4b:s4+s2], $0x80, v3, vm0, $0xb8;
	[tilespmem:$0x10080] =	vst v63  }
0x3c: {  	v3 =	vld [tilespmem:$0x20];
	_ =	sdelay $0x4  }
0x3d: {  	v58 =	vshll.u32 v3, $0x2  }
0x3e: {  	v3 =	vand.u32 $0x7, v3;
	v4 =	vand.u32 $0xFFFFFFE0, v58  }
0x3f: {  	v3 =	vor.u32 v3, v4  }
0x40: {  	v4 =	vperm.xlane v3, v0;
	_ =	sdelay $0x1  }
0x41: {  	v4 =	vadd.s32 v1, v4;
	_ =	sdelay $0x1  }
0x42: {  	v3 =	vperm.xlane v3, v2;
	_ =	sdelay $0x1  }
0x43: {  	s8 =	rddreg [dreg:$0xb];
	v3 =	vadd.s32 v1, v3  }
0x44: {  	[tilespmem:s8], [sflag:$0x1] =	stream.indirect_vreg.gather [hbm4b:s3+s2], $0x80, v4, vm0, $0xb8;
	[tilespmem:$0x10080] =	vst v63  }
0x45: {  	s8 =	simm.s32 $0x4880  }
0x46: {  	[tilespmem:s8], [sflag:$0x1] =	stream.indirect_vreg.gather [hbm4b:s4+s2], $0x80, v4, vm0, $0xb8;
	[tilespmem:$0x10080] =	vst v63  }
0x47: {  	_ = 	snop  }
0x48: {  	[tilespmem:s9], [sflag:$0x1] =	stream.indirect_vreg.gather [hbm4b:s3+s2], $0x80, v3, vm0, $0xb8;
	[tilespmem:$0x10080] =	vst v63  }
0x49: {  	_ = 	snop  }
0x4a: {  	[tilespmem:s10], [sflag:$0x1] =	stream.indirect_vreg.gather [hbm4b:s4+s2], $0x80, v3, vm0, $0xb8;
	[tilespmem:$0x10080] =	vst v63  }
0x4b: {  	v3 =	vld [tilespmem:$0x30];
	_ =	sdelay $0x4  }
0x4c: {  	v59 =	vshll.u32 v3, $0x2  }
0x4d: {  	v3 =	vand.u32 $0x7, v3;
	v4 =	vand.u32 $0xFFFFFFE0, v59  }
0x4e: {  	v3 =	vor.u32 v3, v4  }
0x4f: {  	v4 =	vperm.xlane v3, v0;
	_ =	sdelay $0x1  }
0x50: {  	v4 =	vadd.s32 v1, v4;
	_ =	sdelay $0x1  }
0x51: {  	v3 =	vperm.xlane v3, v2;
	_ =	sdelay $0x1  }
0x52: {  	v3 =	vadd.s32 v1, v3  }
0x53: {  	[tilespmem:s11], [sflag:$0x1] =	stream.indirect_vreg.gather [hbm4b:s3+s2], $0x80, v4, vm0, $0xb8;
	[tilespmem:$0x10080] =	vst v63  }
0x54: {  	_ = 	snop  }
0x55: {  	[tilespmem:s12], [sflag:$0x1] =	stream.indirect_vreg.gather [hbm4b:s4+s2], $0x80, v4, vm0, $0xb8;
	[tilespmem:$0x10080] =	vst v63  }
0x56: {  	_ = 	snop  }
0x57: {  	[tilespmem:s13], [sflag:$0x1] =	stream.indirect_vreg.gather [hbm4b:s3+s2], $0x80, v3, vm0, $0xb8;
	[tilespmem:$0x10080] =	vst v63  }
0x58: {  	_ = 	snop  }
0x59: {  	[tilespmem:s14], [sflag:$0x1] =	stream.indirect_vreg.gather [hbm4b:s4+s2], $0x80, v3, vm0, $0xb8;
	[tilespmem:$0x10080] =	vst v63  }
0x5a: {  	v3 =	vld [tilespmem:$0x40];
	_ =	sdelay $0x4  }
0x5b: {  	v60 =	vshll.u32 v3, $0x2  }
0x5c: {  	v3 =	vand.u32 $0x7, v3;
	v4 =	vand.u32 $0xFFFFFFE0, v60  }
0x5d: {  	v3 =	vor.u32 v3, v4  }
0x5e: {  	v4 =	vperm.xlane v3, v0;
	_ =	sdelay $0x1  }
0x5f: {  	v4 =	vadd.s32 v1, v4;
	_ =	sdelay $0x1  }
0x60: {  	v3 =	vperm.xlane v3, v2;
	_ =	sdelay $0x1  }
0x61: {  	v3 =	vadd.s32 v1, v3  }
0x62: {  	[tilespmem:s15], [sflag:$0x1] =	stream.indirect_vreg.gather [hbm4b:s3+s2], $0x80, v4, vm0, $0xb8;
	[tilespmem:$0x10080] =	vst v63  }
0x63: {  	_ = 	snop  }
0x64: {  	[tilespmem:s16], [sflag:$0x1] =	stream.indirect_vreg.gather [hbm4b:s4+s2], $0x80, v4, vm0, $0xb8;
	[tilespmem:$0x10080] =	vst v63  }
0x65: {  	_ = 	snop  }
0x66: {  	[tilespmem:s17], [sflag:$0x1] =	stream.indirect_vreg.gather [hbm4b:s3+s2], $0x80, v3, vm0, $0xb8;
	[tilespmem:$0x10080] =	vst v63  }
0x67: {  	_ = 	snop  }
0x68: {  	[tilespmem:s18], [sflag:$0x1] =	stream.indirect_vreg.gather [hbm4b:s4+s2], $0x80, v3, vm0, $0xb8;
	[tilespmem:$0x10080] =	vst v63  }
0x69: {  	v3 =	vld [tilespmem:$0x50];
	_ =	sdelay $0x4  }
0x6a: {  	v61 =	vshll.u32 v3, $0x2  }
0x6b: {  	v3 =	vand.u32 $0x7, v3;
	v4 =	vand.u32 $0xFFFFFFE0, v61  }
0x6c: {  	v3 =	vor.u32 v3, v4  }
0x6d: {  	v4 =	vperm.xlane v3, v0;
	_ =	sdelay $0x1  }
0x6e: {  	v4 =	vadd.s32 v1, v4;
	_ =	sdelay $0x1  }
0x6f: {  	v3 =	vperm.xlane v3, v2;
	_ =	sdelay $0x1  }
0x70: {  	v3 =	vadd.s32 v1, v3  }
0x71: {  	[tilespmem:s19], [sflag:$0x1] =	stream.indirect_vreg.gather [hbm4b:s3+s2], $0x80, v4, vm0, $0xb8;
	[tilespmem:$0x10080] =	vst v63  }
0x72: {  	_ = 	snop  }
0x73: {  	[tilespmem:s20], [sflag:$0x1] =	stream.indirect_vreg.gather [hbm4b:s4+s2], $0x80, v4, vm0, $0xb8;
	[tilespmem:$0x10080] =	vst v63  }
0x74: {  	_ = 	snop  }
0x75: {  	[tilespmem:s21], [sflag:$0x1] =	stream.indirect_vreg.gather [hbm4b:s3+s2], $0x80, v3, vm0, $0xb8;
	[tilespmem:$0x10080] =	vst v63  }
0x76: {  	_ = 	snop  }
0x77: {  	[tilespmem:s22], [sflag:$0x1] =	stream.indirect_vreg.gather [hbm4b:s4+s2], $0x80, v3, vm0, $0xb8;
	[tilespmem:$0x10080] =	vst v63  }
0x78: {  	v3 =	vld [tilespmem:$0x60];
	_ =	sdelay $0x4  }
0x79: {  	v62 =	vshll.u32 v3, $0x2  }
0x7a: {  	v3 =	vand.u32 $0x7, v3;
	v4 =	vand.u32 $0xFFFFFFE0, v62  }
0x7b: {  	v3 =	vor.u32 v3, v4  }
0x7c: {  	v4 =	vperm.xlane v3, v0;
	_ =	sdelay $0x1  }
0x7d: {  	v4 =	vadd.s32 v1, v4;
	_ =	sdelay $0x1  }
0x7e: {  	v3 =	vperm.xlane v3, v2;
	_ =	sdelay $0x1  }
0x7f: {  	v3 =	vadd.s32 v1, v3  }
0x80: {  	[tilespmem:s23], [sflag:$0x1] =	stream.indirect_vreg.gather [hbm4b:s3+s2], $0x80, v4, vm0, $0xb8;
	[tilespmem:$0x10080] =	vst v63  }
0x81: {  	_ = 	snop  }
0x82: {  	[tilespmem:s24], [sflag:$0x1] =	stream.indirect_vreg.gather [hbm4b:s4+s2], $0x80, v4, vm0, $0xb8;
	[tilespmem:$0x10080] =	vst v63  }
0x83: {  	_ = 	snop  }
0x84: {  	[tilespmem:s25], [sflag:$0x1] =	stream.indirect_vreg.gather [hbm4b:s3+s2], $0x80, v3, vm0, $0xb8;
	[tilespmem:$0x10080] =	vst v63  }
0x85: {  	_ = 	snop  }
0x86: {  	[tilespmem:s26], [sflag:$0x1] =	stream.indirect_vreg.gather [hbm4b:s4+s2], $0x80, v3, vm0, $0xb8;
	[tilespmem:$0x10080] =	vst v63  }
0x87: {  	v3 =	vld [tilespmem:$0x70];
	_ =	sdelay $0x4  }
0x88: {  	v63 =	vshll.u32 v3, $0x2  }
0x89: {  	v3 =	vand.u32 $0x7, v3;
	v4 =	vand.u32 $0xFFFFFFE0, v63  }
0x8a: {  	v3 =	vor.u32 v3, v4  }
0x8b: {  	v4 =	vperm.xlane v3, v0;
	_ =	sdelay $0x1  }
0x8c: {  	v4 =	vadd.s32 v1, v4;
	_ =	sdelay $0x1  }
0x8d: {  	v3 =	vperm.xlane v3, v2;
	_ =	sdelay $0x1  }
0x8e: {  	v3 =	vadd.s32 v1, v3  }
0x8f: {  	[tilespmem:s28], [sflag:$0x1] =	stream.indirect_vreg.gather [hbm4b:s3+s2], $0x80, v4, vm0, $0xb8;
	[tilespmem:$0x10080] =	vst v63  }
0x90: {  	_ = 	snop  }
0x91: {  	[tilespmem:s29], [sflag:$0x1] =	stream.indirect_vreg.gather [hbm4b:s4+s2], $0x80, v4, vm0, $0xb8;
	[tilespmem:$0x10080] =	vst v63  }
0x92: {  	_ = 	snop  }
0x93: {  	[tilespmem:s30], [sflag:$0x1] =	stream.indirect_vreg.gather [hbm4b:s3+s2], $0x80, v3, vm0, $0xb8;
	[tilespmem:$0x10080] =	vst v63  }
0x94: {  	_ = 	snop  }
0x95: {  	[tilespmem:s31], [sflag:$0x1] =	stream.indirect_vreg.gather [hbm4b:s4+s2], $0x80, v3, vm0, $0xb8;
	[tilespmem:$0x10080] =	vst v63  }
0x96: {  	_ =	swait.ge [sflag:s1], $0x10000  }
0x97: {  	p0 =	sne.s32 s5, $0x1;
	[sflag:s1] =	ssyncset.done $0x0  }
.Ltmp0:
0x98: {  	s8 =	rddreg [dreg:$0x3];
	[sflag:s1] =	ssyncadd.s32 $0xFFFF0000;
	(pc) =	sbr.rel @p0 .LBB2_1-.Ltmp0, $4  }
0x99: {  	[hbm4b:s8+s2] =	stream.linear.scatter [tilespmem:s7], [sflag:$0x2], $0x10000, $0x38;
	[tilespmem:$0x10080] =	vst v63  }
0x9a: {  	_ =	swait.ge [sflag:s6], $0x10000  }
0x9b: {  	[sflag:s6] =	ssyncset.done $0x0  }
0x9c: {  	s5 =	sadd.s32 $0xFFFFFFFF, s5;
	[sflag:s6] =	ssyncadd.s32 $0xFFFF0000  }
0x9d: {  	_ =	sfence.sel $0x180000  }
0x9e: {  	[bflag:$0x0] =	sbarrier.arrive $0xFFFF  }
0x9f: {  	_ =	strace $0x9000004A  }
0xa0: {  	s0 =	stileid.u32;
	[bflag:$0x2] =	sbarrier.arrive $0xFFFF  }
0xa1: {  	p0 =	sne.s32 s0, $0x0;
	s0 =	rddreg [dreg:$0x1]  }
0xa2: {  	s0 =	sadd.s32 @!p0 $0x100000, s0  }
0xa3: {  	[sflag:s0] =	ssyncadd.tile.s32 @!p0 $0x1;
	_ =	shalt  }
.Lfunc_end2:
_tile_overlayer_lowered:
.L_overlay_start_2:
0xa4: {  	(tag) =	ssettag $0x2  }
0xa5: {  	s0 =	rddreg [dreg:$0x0];
	s2 =	stileid.u32  }
0xa6: {  	s1 =	rddreg [dreg:$0x1];
	p0 =	sne.s32 s2, $0x0  }
0xa7: {  	s3 =	rddreg [dreg:$0x2];
	[bflag:$0x3] =	sbarrier.arrive $0xFFFF;
	s2 =	simm.s32 @!p0 $0x1C02  }
0xa8: {  	[timem:s3], [sflag:s2] =	dma.local @!p0 [hbm:s0], s1  }
0xa9: {  	s0 =	simm.s32 @!p0 $0x2  }
0xaa: {  	_ =	swait.ge @!p0 [sflag:s0], s1  }
0xab: {  	s1 =	ssub.s32 @!p0 $0x0, s1;
	[sflag:s0] =	ssyncset.done @!p0 $0x0  }
0xac: {  	[sflag:s0] =	ssyncadd.s32 @!p0 s1  }
0xad: {  	[bflag:$0x3] =	sbarrier.arrive $0xFFFF  }
0xae: {  	_ =	shalt  }

// kernel: kernel.7.cloned.1.call-start
scs
__scs_entry_jumppad:
0x0: {  	(pc) =	sbr.rel $0x88, $3  }
0x1: {  	(tag) =	ssettag $0x0;
	lr =	simm.s32 $0x1  }
0x2: {  	[smem:$0x3F99] =	sst lr;
	_ =	strace $0xD0000000  }
0x3: {  	_ = 	snop  }
0x4: {  	_ = 	snop  }
0x5: {  	_ = 	snop  }
0x6: {  	_ = 	snop  }
0x7: {  	_ = 	snop  }
__scs_overlays_trampoline_lowered:
0x8: {  	[smem:$0x3FA8] =	sst s0  }
0x9: {  	[smem:$0x3FA9] =	sst s1  }
0xa: {  	[smem:$0x3FAA] =	sst s2  }
0xb: {  	[smem:$0x3FAB] =	sst s3  }
0xc: {  	[smem:$0x3FAC] =	sst s4  }
0xd: {  	[smem:$0x3FAD] =	sst s5  }
0xe: {  	[smem:$0x3FAE] =	sst s6  }
0xf: {  	[smem:$0x3FAF] =	sst s7  }
0x10: {  	[smem:$0x3FB0] =	sst s8  }
0x11: {  	[smem:$0x3FB1] =	sst s9;
	s0 =	simm.s32 @!p0 $0x0  }
0x12: {  	s1 =	sld [smem:$0x3F97];
	s0 =	simm.s32 @p0 $0x1  }
0x13: {  	[smem:$0x3FB2] =	sst s0;
	s0 =	simm.s32 @!p1 $0x0  }
0x14: {  	s2 =	sld [smem:$0x3F96];
	s0 =	simm.s32 @p1 $0x1  }
0x15: {  	[smem:$0x3FB3] =	sst s0;
	s0 =	simm.s32 @!p2 $0x0  }
0x16: {  	s3 =	sld [smem:$0x3FDB];
	s0 =	simm.s32 @p2 $0x1  }
0x17: {  	s4 =	simm.s32 $0x1BF5;
	[smem:$0x3FB5] =	sst s0  }
0x18: {  	s0 =	sld [smem:$0x3F98];
	_ =	swait.ge [sflag:s4], $0x0  }
0x19: {  	s7 =	sld [smem:$0x3F99]  }
0x1a: {  	s8 =	sadd.s32 $0xFFFFE003, lr  }
0x1b: {  	s9 =	sadd.s32 $0xFFFFFEF7, lr;
	s5 =	simm.s32 $0xFFFFFFFF;
	p2 =	slt.u32 s8, $0xFFFFF086  }
0x1c: {  	p1 =	slt.u32 s9, $0xF7A;
	s5 =	simm.s32 @!p2 $0x0  }
0x1d: {  	s5 =	simm.s32 @p1 $0x1;
	p0 =	seq.s32 s7, s2  }
0x1e: {  	s7 =	smul.u32 @!p0 $0xF7A, s2;
	p2 =	seq.s32 @!p0 s5, $0x0  }
0x1f: {  	s9 =	smul.u32 $0xF7A, s1;
	s8 =	simm.s32 @!p0 $0x1BF5;
	p2 =	por !p2, p0  }
0x20: {  	[sflag:s8] =	ssyncset.s32 @!p0 $0xFFFFF086;
	s6 =	sadd.s32 @!p0 s3, s7;
	s7 =	simm.s32 @!p0 $0x108  }
0x21: {  	s3 =	sadd.s32 s3, s9;
	s6 =	sadd.s32 @!p0 $0x88, s6;
	s7 =	simm.s32 @p2 $0x1082  }
0x22: {  	[simem:s7], [sflag:s8] =	dma.local @!p0 [hbm:s6], $0xF7A  }
0x23: {  	s9 =	sor.u32 $0xD0000000, s2;
	s6 =	simm.s32 $0x108;
	_ =	swait.ge @!p0 [sflag:s8], $0x0  }
0x24: {  	s3 =	sadd.s32 $0x88, s3;
	s6 =	simm.s32 @!p1 $0x1082;
	[sflag:s4] =	ssyncset.s32 $0xFFFFF086  }
0x25: {  	[simem:s6], [sflag:s4] =	dma.local [hbm:s3], $0xF7A  }
0x26: {  	[smem:$0x3F99] =	sst s1;
	(tag) =	ssettag s2;
	_ =	strace s9  }
0x27: {  	s1 =	sld [smem:$0x3FA9]  }
0x28: {  	s2 =	sld [smem:$0x3FAA]  }
0x29: {  	s4 =	sld [smem:$0x3FAC]  }
0x2a: {  	p0 =	seq.s32 s5, $0x0;
	s5 =	sld [smem:$0x3FAD]  }
0x2b: {  	s6 =	sld [smem:$0x3FAE]  }
0x2c: {  	s7 =	sld [smem:$0x3FAF]  }
0x2d: {  	s3 =	simm.s32 $0x108;
	s8 =	sld [smem:$0x3FB0]  }
0x2e: {  	s3 =	simm.s32 @!p0 $0x1082;
	s9 =	sld [smem:$0x3FB1]  }
0x2f: {  	lr =	sadd.s32 s0, s3;
	s0 =	sld [smem:$0x3FA8]  }
0x30: {  	s3 =	sld [smem:$0x3FAB]  }
0x31: {  	[smem:$0x3FB4] =	sst s10  }
0x32: {  	s10 =	sld [smem:$0x3FB2];
	_ =	sdelay $0x3  }
0x33: {  	p0 =	seq.s32 s10, $0x1;
	s10 =	sld [smem:$0x3FB4];
	_ =	sdelay $0x3  }
0x34: {  	[smem:$0x3FB4] =	sst s10  }
0x35: {  	s10 =	sld [smem:$0x3FB3];
	_ =	sdelay $0x3  }
0x36: {  	p1 =	seq.s32 s10, $0x1;
	s10 =	sld [smem:$0x3FB4];
	_ =	sdelay $0x3  }
0x37: {  	[smem:$0x3FB4] =	sst s10  }
0x38: {  	s10 =	sld [smem:$0x3FB5]  }
0x39: {  	_ = 	snop;
	(pc) =	sbr.ind lr, $3  }
0x3a: {  	_ = 	snop  }
0x3b: {  	_ = 	snop  }
0x3c: {  	p2 =	seq.s32 s10, $0x1;
	s10 =	sld [smem:$0x3FB4]  }
0x3d: {  	_ =	shalt  }
0x3e: {  	_ =	shalt  }
0x3f: {  	_ =	shalt  }
0x40: {  	_ =	shalt  }
0x41: {  	_ =	shalt  }
0x42: {  	_ =	shalt  }
0x43: {  	_ =	shalt  }
0x44: {  	_ =	shalt  }
0x45: {  	_ =	shalt  }
0x46: {  	_ =	shalt  }
0x47: {  	_ =	shalt  }
0x48: {  	_ =	shalt  }
0x49: {  	_ =	shalt  }
0x4a: {  	_ =	shalt  }
0x4b: {  	_ =	shalt  }
0x4c: {  	_ =	shalt  }
0x4d: {  	_ =	shalt  }
0x4e: {  	_ =	shalt  }
0x4f: {  	_ =	shalt  }
0x50: {  	_ =	shalt  }
0x51: {  	_ =	shalt  }
0x52: {  	_ =	shalt  }
0x53: {  	_ =	shalt  }
0x54: {  	_ =	shalt  }
0x55: {  	_ =	shalt  }
0x56: {  	_ =	shalt  }
0x57: {  	_ =	shalt  }
0x58: {  	_ =	shalt  }
0x59: {  	_ =	shalt  }
0x5a: {  	_ =	shalt  }
0x5b: {  	_ =	shalt  }
0x5c: {  	_ =	shalt  }
0x5d: {  	_ =	shalt  }
0x5e: {  	_ =	shalt  }
0x5f: {  	_ =	shalt  }
0x60: {  	_ =	shalt  }
0x61: {  	_ =	shalt  }
0x62: {  	_ =	shalt  }
0x63: {  	_ =	shalt  }
0x64: {  	_ =	shalt  }
0x65: {  	_ =	shalt  }
0x66: {  	_ =	shalt  }
0x67: {  	_ =	shalt  }
0x68: {  	_ =	shalt  }
0x69: {  	_ =	shalt  }
0x6a: {  	_ =	shalt  }
0x6b: {  	_ =	shalt  }
0x6c: {  	_ =	shalt  }
0x6d: {  	_ =	shalt  }
0x6e: {  	_ =	shalt  }
0x6f: {  	_ =	shalt  }
0x70: {  	_ =	shalt  }
0x71: {  	_ =	shalt  }
0x72: {  	_ =	shalt  }
0x73: {  	_ =	shalt  }
0x74: {  	_ =	shalt  }
0x75: {  	_ =	shalt  }
0x76: {  	_ =	shalt  }
0x77: {  	_ =	shalt  }
0x78: {  	_ =	shalt  }
0x79: {  	_ =	shalt  }
0x7a: {  	_ =	shalt  }
0x7b: {  	_ =	shalt  }
0x7c: {  	_ =	shalt  }
0x7d: {  	_ =	shalt  }
0x7e: {  	_ =	shalt  }
0x7f: {  	_ =	shalt  }
0x80: {  	_ =	shalt  }
0x81: {  	_ =	shalt  }
0x82: {  	_ =	shalt  }
0x83: {  	_ =	shalt  }
0x84: {  	_ =	shalt  }
0x85: {  	_ =	shalt  }
0x86: {  	_ =	shalt  }
0x87: {  	_ =	shalt  }
.Lfunc_end0:
.L_simem_size_0:
called_computation_lowered:
.L_overlay_start_0:
0x88: {  	s2 =	sld [smem:$0x3FD9]  }
0x89: {  	s3 =	sld [smem:$0x3FFE];
	_ =	sdelay $0x1  }
0x8a: {  	s1 =	srdreg.scid  }
0x8b: {  	s0 =	sand.u32 $0x1, s1  }
0x8c: {  	s17 =	sshll.u32 s0, $0xA;
	s2 =	sadd.s32 s3, s2  }
0x8d: {  	s2 =	sadd.s32 s2, s17  }
0x8e: {  	[smem:$0x3FC0] =	sst s2  }
0x8f: {  	_ = 	snop  }
0x90: {  	s2 =	sld [smem:$0x3FD0];
	(tm) =	ssettm $0x1  }
0x91: {  	s18 =	sld [smem:$0x3FFB];
	_ =	sdelay $0x3  }
0x92: {  	_ =	strace s18  }
0x93: {  	s3 =	sld [smem:$0x3FFC];
	_ =	sdelay $0x3  }
0x94: {  	_ =	strace s3  }
0x95: {  	s3 =	sld [smem:$0x3FFD];
	_ =	sdelay $0x3  }
0x96: {  	_ =	strace s3  }
0x97: {  	_ =	strace $0x8FFFFFFF  }
0x98: {  	s19 =	sld [smem:$0x3FDB];
	_ =	sdelay $0x1  }
0x99: {  	s4 =	simm.s32 $_scs_section_size  }
0x9a: {  	s5 =	simm.s32 $_size__tile_overlayer_lowered;
	s6 =	simm.s32 $_tile_overlayer_lowered  }
0x9b: {  	s22 =	simm.s32 $0x1BFF;
	s21 =	sshll.u32 s6, $0x1;
	s3 =	sadd.s32 s4, s19  }
0x9c: {  	s7 =	simm.s32 $0x0;
	s20 =	sshll.u32 s5, $0x1;
	s5 =	sadd.s32 s21, s3  }
0x9d: {  	[timem:s7], [sflag:s22] =	dma.local [hbm:s5], s20  }
0x9e: {  	_ =	swait.ge [sflag:s22], s20  }
0x9f: {  	s4 =	ssub.s32 $0x0, s20;
	[sflag:s22] =	ssyncset.done $0x0  }
0xa0: {  	[sflag:s22] =	ssyncadd.s32 s4;
	_ =	sdelay $0x1  }
0xa1: {  	s23 =	simm.s32 $0x1B8B  }
0xa2: {  	_ =	swait.ge [sflag:s23], $0x1  }
0xa3: {  	[sflag:s23] =	ssyncset.done $0x0  }
0xa4: {  	s25 =	simm.s32 $0x1B8E;
	s24 =	sld [smem:$0x3FFE];
	[sflag:s23] =	ssyncadd.s32 $0xFFFFFFFF  }
0xa5: {  	s26 =	simm.s32 $execute0_lowered;
	[smem:$0x3FD2] =	sst s25  }
0xa6: {  	s5 =	sshll.u32 s26, $0x1;
	_ =	strace $0x80000046;
	[dreg:$0x1] =	wrdreg $0xFFFFFFFF  }
0xa7: {  	s28 =	simm.s32 $_size_execute0_lowered;
	s3 =	sadd.s32 s3, s5;
	[dreg:$0x0] =	wrdreg $0x0  }
0xa8: {  	s5 =	sshll.u32 s28, $0x1;
	[dreg:$0x2] =	wrdreg s3  }
0xa9: {  	[dreg:$0x3] =	wrdreg s5  }
0xaa: {  	[dreg:$0x4] =	wrdreg $0xC0  }
0xab: {  	_ =	task [dreg:s7], $0x5FFFF  }
0xac: {  	[dreg:$0x1] =	wrdreg $0xFFFFFFFF  }
0xad: {  	[dreg:$0x0] =	wrdreg $0x60  }
0xae: {  	[dreg:$0x2] =	wrdreg s2  }
0xaf: {  	[dreg:$0x3] =	wrdreg s24  }
0xb0: {  	[dreg:$0x4] =	wrdreg $0x9  }
0xb1: {  	_ =	task.clear_ibuf [dreg:s7], $0x5FFFF;
	_ =	strace $0x90000046  }
0xb2: {  	s29 =	simm.s32 $0x9;
	_ =	strace $0x80000048  }
0xb3: {  	_ =	swait.ge [sflag:s29], $0x1  }
0xb4: {  	[sflag:s29] =	ssyncadd.s32 $0xFFFFFFFF  }
0xb5: {  	_ =	strace $0x90000048  }
0xb6: {  	_ =	sfence  }
0xb7: {  	s30 =	sld [smem:$0x0];
	_ =	sdelay $0x2  }
0xb8: {  	s31 =	sshll.u32 s1, $0xD;
	s1 =	sshrl.u32 s1, $0x2  }
0xb9: {  	s3 =	sand.u32 $0x4000, s31;
	s1 =	sadd.s32 s1, s30  }
0xba: {  	s0 =	sor.u32 s3, s0;
	s1 =	sshll.u32 s1, $0x11  }
0xbb: {  	s0 =	sor.u32 s1, s0  }
0xbc: {  	s0 =	sadd.s32 $0x8F2B, s0  }
0xbd: {  	[sflag:s0] =	ssyncadd.remote.s32 $0x1  }
0xbe: {  	_ =	sfence.sel $0xFFFF  }
0xbf: {  	[dreg:$0x0] =	wrdreg $0xFFFFFFFF;
	(pc) =	sbr.abs _section_cstart, $3  }
0xc0: {  	[dreg:$0x1] =	wrdreg $0xFFFFFFFF  }
0xc1: {  	_ =	task.clear_ibuf [dreg:s7], $0x2FFFF;
	_ =	strace $0x9FFFFFFF  }
0xc2: {  	(tm) =	ssettm $0x7FFFFFFF  }
0xc3: {  	_ =	shalt  }
tec
execute0_lowered:
.L_overlay_start_1:
0x0: {  	(tag) =	ssettag $0x1  }
0x1: {  	s2 =	rddreg [dreg:$0x0]  }
0x2: {  	s0 =	rddreg [dreg:$0x1]  }
0x3: {  	s1 =	srdreg.scid;
	s4 =	stileid.u32;
	s3 =	simm.s32 $0x0  }
0x4: {  	s26 =	simm.s32 $0x80;
	s21 =	simm.s32 $0x1100;
	s22 =	simm.s32 $0x1900  }
0x5: {  	s23 =	simm.s32 $0x2100;
	s24 =	simm.s32 $0x2900;
	s25 =	simm.s32 $0x3100  }
0x6: {  	s28 =	simm.s32 $0x4100;
	s29 =	simm.s32 $0x4900;
	s30 =	simm.s32 $0x5100  }
0x7: {  	s31 =	simm.s32 $0x5900;
	s9 =	simm.s32 $0x7100;
	s10 =	simm.s32 $0x7900  }
0x8: {  	s11 =	simm.s32 $0x8100;
	s12 =	simm.s32 $0x8900;
	s13 =	simm.s32 $0x9100  }
0x9: {  	s14 =	simm.s32 $0x9900;
	s15 =	simm.s32 $0xA100;
	s16 =	simm.s32 $0xA900  }
0xa: {  	s17 =	simm.s32 $0xB100;
	s18 =	simm.s32 $0xB900;
	s8 =	simm.s32 $0xC100  }
0xb: {  	s1 =	sand.u32 $0x1, s1;
	s4 =	sshll.u32 s4, $0x5;
	[smem:$0x7FF] =	sst s3  }
0xc: {  	s5 =	sshll.u32 s1, $0x4;
	_ =	strace $0x80000047;
	s1 =	ssub.s32 $0x2, s1  }
0xd: {  	[dreg:$0x5] =	wrdreg s26;
	s26 =	simm.s32 $0x3900;
	s4 =	sor.u32 s5, s4  }
0xe: {  	s7 =	sshrl.u32 s1, $0x1;
	s5 =	sadd.s32 s4, s0;
	s4 =	sadd.s32 $0x1C00, s0  }
0xf: {  	v2 =	vlaneseq.u32;
	s1 =	ssub.s32 s1, s7;
	s6 =	sadd.s32 $0x1800, s5;
	s5 =	sadd.s32 $0x1A00, s5  }
0x10: {  	vm0 =	vmmov $0xffff;
	v1 =	vshrl.u32 v2, $0x3;
	s7 =	smax.u32 s1, $0x1;
	s1 =	simm.s32 $0x6900;
	[dreg:$0x3] =	wrdreg s6  }
0x11: {  	v0 =	vand.u32 $0x7, v2;
	v2 =	vor.u32 $0x8, v2;
	v1 =	vmul.u32 $0x8, v1;
	[dreg:$0x4] =	wrdreg s5;
	s5 =	sadd.s32 $0x100, s2;
	s6 =	sadd.s32 $0x1D00, s0  }
.LBB2_1:
0x12: {  	s19 =	rddreg [dreg:$0x3];
	s0 =	simm.s32 $0x3  }
0x13: {  	[tilespmem:s3], [sflag:$0x3] =	stream.linear.gather [hbm4b:s19+s3], $0x80, $0x38;
	[tilespmem:$0x10100] =	vst v63  }
0x14: {  	_ =	swait.ge [sflag:s0], $0x80  }
0x15: {  	s19 =	rddreg [dreg:$0x4];
	[sflag:s0] =	ssyncset.done $0x0  }
0x16: {  	s20 =	rddreg [dreg:$0x5];
	[sflag:s0] =	ssyncadd.s32 $0xFFFFFF80  }
0x17: {  	[tilespmem:s20], [sflag:$0x3] =	stream.linear.gather [hbm4b:s19+s3], $0x80, $0x38;
	[tilespmem:$0x10100] =	vst v63  }
0x18: {  	_ =	swait.ge [sflag:s0], $0x80  }
0x19: {  	[sflag:s0] =	ssyncset.done $0x0  }
0x1a: {  	[sflag:s0] =	ssyncadd.s32 $0xFFFFFF80  }
0x1b: {  	v3 =	vld [tilespmem:$0x0];
	_ =	sdelay $0x4  }
0x1c: {  	v4 =	vshll.u32 v3, $0x2  }
0x1d: {  	v3 =	vand.u32 $0x7, v3;
	v4 =	vand.u32 $0xFFFFFFE0, v4  }
0x1e: {  	v3 =	vor.u32 v3, v4  }
0x1f: {  	v4 =	vperm.xlane v3, v0;
	_ =	sdelay $0x1  }
0x20: {  	v4 =	vadd.s32 v1, v4;
	_ =	sdelay $0x1  }
0x21: {  	v3 =	vperm.xlane v3, v2;
	_ =	sdelay $0x1  }
0x22: {  	s19 =	simm.s32 $0x100;
	v3 =	vadd.s32 v1, v3  }
0x23: {  	[tilespmem:s19], [sflag:$0x1] =	stream.indirect_vreg.gather [hbm4b:s2+s3], $0x80, v4, vm0, $0xb8;
	[tilespmem:$0x10100] =	vst v63  }
0x24: {  	s20 =	simm.s32 $0x900  }
0x25: {  	[tilespmem:s20], [sflag:$0x1] =	stream.indirect_vreg.gather [hbm4b:s5+s3], $0x80, v4, vm0, $0xb8;
	[tilespmem:$0x10100] =	vst v63  }
0x26: {  	_ = 	snop  }
0x27: {  	[tilespmem:s21], [sflag:$0x1] =	stream.indirect_vreg.gather [hbm4b:s2+s3], $0x80, v3, vm0, $0xb8;
	[tilespmem:$0x10100] =	vst v63  }
0x28: {  	_ = 	snop  }
0x29: {  	[tilespmem:s22], [sflag:$0x1] =	stream.indirect_vreg.gather [hbm4b:s5+s3], $0x80, v3, vm0, $0xb8;
	[tilespmem:$0x10100] =	vst v63  }
0x2a: {  	v3 =	vld [tilespmem:$0x10];
	_ =	sdelay $0x4  }
0x2b: {  	v49 =	vshll.u32 v3, $0x2  }
0x2c: {  	v3 =	vand.u32 $0x7, v3;
	v4 =	vand.u32 $0xFFFFFFE0, v49  }
0x2d: {  	v3 =	vor.u32 v3, v4  }
0x2e: {  	v4 =	vperm.xlane v3, v0;
	_ =	sdelay $0x1  }
0x2f: {  	v4 =	vadd.s32 v1, v4;
	_ =	sdelay $0x1  }
0x30: {  	v3 =	vperm.xlane v3, v2;
	_ =	sdelay $0x1  }
0x31: {  	v3 =	vadd.s32 v1, v3  }
0x32: {  	[tilespmem:s23], [sflag:$0x1] =	stream.indirect_vreg.gather [hbm4b:s2+s3], $0x80, v4, vm0, $0xb8;
	[tilespmem:$0x10100] =	vst v63  }
0x33: {  	_ = 	snop  }
0x34: {  	[tilespmem:s24], [sflag:$0x1] =	stream.indirect_vreg.gather [hbm4b:s5+s3], $0x80, v4, vm0, $0xb8;
	[tilespmem:$0x10100] =	vst v63  }
0x35: {  	_ = 	snop  }
0x36: {  	[tilespmem:s25], [sflag:$0x1] =	stream.indirect_vreg.gather [hbm4b:s2+s3], $0x80, v3, vm0, $0xb8;
	[tilespmem:$0x10100] =	vst v63  }
0x37: {  	_ = 	snop  }
0x38: {  	[tilespmem:s26], [sflag:$0x1] =	stream.indirect_vreg.gather [hbm4b:s5+s3], $0x80, v3, vm0, $0xb8;
	[tilespmem:$0x10100] =	vst v63  }
0x39: {  	v3 =	vld [tilespmem:$0x20];
	_ =	sdelay $0x4  }
0x3a: {  	v50 =	vshll.u32 v3, $0x2  }
0x3b: {  	v3 =	vand.u32 $0x7, v3;
	v4 =	vand.u32 $0xFFFFFFE0, v50  }
0x3c: {  	v3 =	vor.u32 v3, v4  }
0x3d: {  	v4 =	vperm.xlane v3, v0;
	_ =	sdelay $0x1  }
0x3e: {  	v4 =	vadd.s32 v1, v4;
	_ =	sdelay $0x1  }
0x3f: {  	v3 =	vperm.xlane v3, v2;
	_ =	sdelay $0x1  }
0x40: {  	v3 =	vadd.s32 v1, v3  }
0x41: {  	[tilespmem:s28], [sflag:$0x1] =	stream.indirect_vreg.gather [hbm4b:s2+s3], $0x80, v4, vm0, $0xb8;
	[tilespmem:$0x10100] =	vst v63  }
0x42: {  	_ = 	snop  }
0x43: {  	[tilespmem:s29], [sflag:$0x1] =	stream.indirect_vreg.gather [hbm4b:s5+s3], $0x80, v4, vm0, $0xb8;
	[tilespmem:$0x10100] =	vst v63  }
0x44: {  	_ = 	snop  }
0x45: {  	[tilespmem:s30], [sflag:$0x1] =	stream.indirect_vreg.gather [hbm4b:s2+s3], $0x80, v3, vm0, $0xb8;
	[tilespmem:$0x10100] =	vst v63  }
0x46: {  	_ = 	snop  }
0x47: {  	[tilespmem:s31], [sflag:$0x1] =	stream.indirect_vreg.gather [hbm4b:s5+s3], $0x80, v3, vm0, $0xb8;
	[tilespmem:$0x10100] =	vst v63  }
0x48: {  	v3 =	vld [tilespmem:$0x30];
	_ =	sdelay $0x4  }
0x49: {  	v51 =	vshll.u32 v3, $0x2  }
0x4a: {  	v3 =	vand.u32 $0x7, v3;
	v4 =	vand.u32 $0xFFFFFFE0, v51  }
0x4b: {  	v3 =	vor.u32 v3, v4  }
0x4c: {  	v4 =	vperm.xlane v3, v0;
	_ =	sdelay $0x1  }
0x4d: {  	v4 =	vadd.s32 v1, v4;
	_ =	sdelay $0x1  }
0x4e: {  	v3 =	vperm.xlane v3, v2;
	_ =	sdelay $0x1  }
0x4f: {  	s0 =	simm.s32 $0x6100;
	v3 =	vadd.s32 v1, v3  }
0x50: {  	[tilespmem:s0], [sflag:$0x1] =	stream.indirect_vreg.gather [hbm4b:s2+s3], $0x80, v4, vm0, $0xb8;
	[tilespmem:$0x10100] =	vst v63  }
0x51: {  	_ = 	snop  }
0x52: {  	[tilespmem:s1], [sflag:$0x1] =	stream.indirect_vreg.gather [hbm4b:s5+s3], $0x80, v4, vm0, $0xb8;
	[tilespmem:$0x10100] =	vst v63  }
0x53: {  	_ = 	snop  }
0x54: {  	[tilespmem:s9], [sflag:$0x1] =	stream.indirect_vreg.gather [hbm4b:s2+s3], $0x80, v3, vm0, $0xb8;
	[tilespmem:$0x10100] =	vst v63  }
0x55: {  	_ = 	snop  }
0x56: {  	[tilespmem:s10], [sflag:$0x1] =	stream.indirect_vreg.gather [hbm4b:s5+s3], $0x80, v3, vm0, $0xb8;
	[tilespmem:$0x10100] =	vst v63  }
0x57: {  	v3 =	vld [tilespmem:$0x40];
	_ =	sdelay $0x4  }
0x58: {  	v52 =	vshll.u32 v3, $0x2  }
0x59: {  	v3 =	vand.u32 $0x7, v3;
	v4 =	vand.u32 $0xFFFFFFE0, v52  }
0x5a: {  	v3 =	vor.u32 v3, v4  }
0x5b: {  	v4 =	vperm.xlane v3, v0;
	_ =	sdelay $0x1  }
0x5c: {  	v4 =	vadd.s32 v1, v4;
	_ =	sdelay $0x1  }
0x5d: {  	v3 =	vperm.xlane v3, v2;
	_ =	sdelay $0x1  }
0x5e: {  	v3 =	vadd.s32 v1, v3  }
0x5f: {  	[tilespmem:s11], [sflag:$0x1] =	stream.indirect_vreg.gather [hbm4b:s2+s3], $0x80, v4, vm0, $0xb8;
	[tilespmem:$0x10100] =	vst v63  }
0x60: {  	_ = 	snop  }
0x61: {  	[tilespmem:s12], [sflag:$0x1] =	stream.indirect_vreg.gather [hbm4b:s5+s3], $0x80, v4, vm0, $0xb8;
	[tilespmem:$0x10100] =	vst v63  }
0x62: {  	_ = 	snop  }
0x63: {  	[tilespmem:s13], [sflag:$0x1] =	stream.indirect_vreg.gather [hbm4b:s2+s3], $0x80, v3, vm0, $0xb8;
	[tilespmem:$0x10100] =	vst v63  }
0x64: {  	_ = 	snop  }
0x65: {  	[tilespmem:s14], [sflag:$0x1] =	stream.indirect_vreg.gather [hbm4b:s5+s3], $0x80, v3, vm0, $0xb8;
	[tilespmem:$0x10100] =	vst v63  }
0x66: {  	v3 =	vld [tilespmem:$0x50];
	_ =	sdelay $0x4  }
0x67: {  	v53 =	vshll.u32 v3, $0x2  }
0x68: {  	v3 =	vand.u32 $0x7, v3;
	v4 =	vand.u32 $0xFFFFFFE0, v53  }
0x69: {  	v3 =	vor.u32 v3, v4  }
0x6a: {  	v4 =	vperm.xlane v3, v0;
	_ =	sdelay $0x1  }
0x6b: {  	v4 =	vadd.s32 v1, v4;
	_ =	sdelay $0x1  }
0x6c: {  	v3 =	vperm.xlane v3, v2;
	_ =	sdelay $0x1  }
0x6d: {  	v3 =	vadd.s32 v1, v3  }
0x6e: {  	[tilespmem:s15], [sflag:$0x1] =	stream.indirect_vreg.gather [hbm4b:s2+s3], $0x80, v4, vm0, $0xb8;
	[tilespmem:$0x10100] =	vst v63  }
0x6f: {  	_ = 	snop  }
0x70: {  	[tilespmem:s16], [sflag:$0x1] =	stream.indirect_vreg.gather [hbm4b:s5+s3], $0x80, v4, vm0, $0xb8;
	[tilespmem:$0x10100] =	vst v63  }
0x71: {  	_ = 	snop  }
0x72: {  	[tilespmem:s17], [sflag:$0x1] =	stream.indirect_vreg.gather [hbm4b:s2+s3], $0x80, v3, vm0, $0xb8;
	[tilespmem:$0x10100] =	vst v63  }
0x73: {  	_ = 	snop  }
0x74: {  	[tilespmem:s18], [sflag:$0x1] =	stream.indirect_vreg.gather [hbm4b:s5+s3], $0x80, v3, vm0, $0xb8;
	[tilespmem:$0x10100] =	vst v63  }
0x75: {  	v3 =	vld [tilespmem:$0x60];
	_ =	sdelay $0x4  }
0x76: {  	v54 =	vshll.u32 v3, $0x2  }
0x77: {  	v3 =	vand.u32 $0x7, v3;
	v4 =	vand.u32 $0xFFFFFFE0, v54  }
0x78: {  	v3 =	vor.u32 v3, v4  }
0x79: {  	v4 =	vperm.xlane v3, v0;
	_ =	sdelay $0x1  }
0x7a: {  	v4 =	vadd.s32 v1, v4;
	_ =	sdelay $0x1  }
0x7b: {  	v3 =	vperm.xlane v3, v2;
	_ =	sdelay $0x1  }
0x7c: {  	v3 =	vadd.s32 v1, v3  }
0x7d: {  	[tilespmem:s8], [sflag:$0x1] =	stream.indirect_vreg.gather [hbm4b:s2+s3], $0x80, v4, vm0, $0xb8;
	[tilespmem:$0x10100] =	vst v63  }
0x7e: {  	s0 =	simm.s32 $0xC900  }
0x7f: {  	[tilespmem:s0], [sflag:$0x1] =	stream.indirect_vreg.gather [hbm4b:s5+s3], $0x80, v4, vm0, $0xb8;
	[tilespmem:$0x10100] =	vst v63  }
0x80: {  	s0 =	simm.s32 $0xD100  }
0x81: {  	[tilespmem:s0], [sflag:$0x1] =	stream.indirect_vreg.gather [hbm4b:s2+s3], $0x80, v3, vm0, $0xb8;
	[tilespmem:$0x10100] =	vst v63  }
0x82: {  	s0 =	simm.s32 $0xD900  }
0x83: {  	[tilespmem:s0], [sflag:$0x1] =	stream.indirect_vreg.gather [hbm4b:s5+s3], $0x80, v3, vm0, $0xb8;
	[tilespmem:$0x10100] =	vst v63  }
0x84: {  	v3 =	vld [tilespmem:$0x70];
	_ =	sdelay $0x4  }
0x85: {  	v55 =	vshll.u32 v3, $0x2  }
0x86: {  	v3 =	vand.u32 $0x7, v3;
	v4 =	vand.u32 $0xFFFFFFE0, v55  }
0x87: {  	v3 =	vor.u32 v3, v4  }
0x88: {  	v4 =	vperm.xlane v3, v0;
	_ =	sdelay $0x1  }
0x89: {  	v4 =	vadd.s32 v1, v4;
	_ =	sdelay $0x1  }
0x8a: {  	v3 =	vperm.xlane v3, v2;
	_ =	sdelay $0x1  }
0x8b: {  	s0 =	simm.s32 $0xE100;
	v3 =	vadd.s32 v1, v3  }
0x8c: {  	[tilespmem:s0], [sflag:$0x1] =	stream.indirect_vreg.gather [hbm4b:s2+s3], $0x80, v4, vm0, $0xb8;
	[tilespmem:$0x10100] =	vst v63  }
0x8d: {  	s0 =	simm.s32 $0xE900  }
0x8e: {  	[tilespmem:s0], [sflag:$0x1] =	stream.indirect_vreg.gather [hbm4b:s5+s3], $0x80, v4, vm0, $0xb8;
	[tilespmem:$0x10100] =	vst v63  }
0x8f: {  	s0 =	simm.s32 $0xF100  }
0x90: {  	[tilespmem:s0], [sflag:$0x1] =	stream.indirect_vreg.gather [hbm4b:s2+s3], $0x80, v3, vm0, $0xb8;
	[tilespmem:$0x10100] =	vst v63  }
0x91: {  	s0 =	simm.s32 $0xF900  }
0x92: {  	[tilespmem:s0], [sflag:$0x1] =	stream.indirect_vreg.gather [hbm4b:s5+s3], $0x80, v3, vm0, $0xb8;
	[tilespmem:$0x10100] =	vst v63  }
0x93: {  	s0 =	simm.s32 $0x1  }
0x94: {  	_ =	swait.ge [sflag:s0], $0x10000  }
0x95: {  	[sflag:s0] =	ssyncset.done $0x0  }
0x96: {  	[sflag:s0] =	ssyncadd.s32 $0xFFFF0000  }
0x97: {  	v3 =	vld [tilespmem:$0x80];
	_ =	sdelay $0x4  }
0x98: {  	v56 =	vshll.u32 v3, $0x2  }
0x99: {  	v3 =	vand.u32 $0x7, v3;
	v4 =	vand.u32 $0xFFFFFFE0, v56  }
0x9a: {  	v3 =	vor.u32 v3, v4  }
0x9b: {  	v4 =	vperm.xlane v3, v0;
	_ =	sdelay $0x1  }
0x9c: {  	v4 =	vadd.s32 v1, v4;
	_ =	sdelay $0x1  }
0x9d: {  	v3 =	vperm.xlane v3, v2;
	_ =	sdelay $0x1  }
0x9e: {  	v3 =	vadd.s32 v1, v3  }
0x9f: {  	[hbm4b:s4+s3] =	stream.indirect_vreg.scatter [tilespmem:s19], [sflag:$0x2], $0x80, v4, vm0, $0xb8;
	[tilespmem:$0x10100] =	vst v63  }
0xa0: {  	_ = 	snop  }
0xa1: {  	[hbm4b:s6+s3] =	stream.indirect_vreg.scatter [tilespmem:s20], [sflag:$0x2], $0x80, v4, vm0, $0xb8;
	[tilespmem:$0x10100] =	vst v63  }
0xa2: {  	_ = 	snop  }
0xa3: {  	[hbm4b:s4+s3] =	stream.indirect_vreg.scatter [tilespmem:s21], [sflag:$0x2], $0x80, v3, vm0, $0xb8;
	[tilespmem:$0x10100] =	vst v63  }
0xa4: {  	_ = 	snop  }
0xa5: {  	[hbm4b:s6+s3] =	stream.indirect_vreg.scatter [tilespmem:s22], [sflag:$0x2], $0x80, v3, vm0, $0xb8;
	[tilespmem:$0x10100] =	vst v63  }
0xa6: {  	v3 =	vld [tilespmem:$0x90];
	_ =	sdelay $0x4  }
0xa7: {  	v57 =	vshll.u32 v3, $0x2  }
0xa8: {  	v3 =	vand.u32 $0x7, v3;
	v4 =	vand.u32 $0xFFFFFFE0, v57  }
0xa9: {  	v3 =	vor.u32 v3, v4  }
0xaa: {  	v4 =	vperm.xlane v3, v0;
	_ =	sdelay $0x1  }
0xab: {  	v4 =	vadd.s32 v1, v4;
	_ =	sdelay $0x1  }
0xac: {  	v3 =	vperm.xlane v3, v2;
	_ =	sdelay $0x1  }
0xad: {  	v3 =	vadd.s32 v1, v3  }
0xae: {  	[hbm4b:s4+s3] =	stream.indirect_vreg.scatter [tilespmem:s23], [sflag:$0x2], $0x80, v4, vm0, $0xb8;
	[tilespmem:$0x10100] =	vst v63  }
0xaf: {  	_ = 	snop  }
0xb0: {  	[hbm4b:s6+s3] =	stream.indirect_vreg.scatter [tilespmem:s24], [sflag:$0x2], $0x80, v4, vm0, $0xb8;
	[tilespmem:$0x10100] =	vst v63  }
0xb1: {  	_ = 	snop  }
0xb2: {  	[hbm4b:s4+s3] =	stream.indirect_vreg.scatter [tilespmem:s25], [sflag:$0x2], $0x80, v3, vm0, $0xb8;
	[tilespmem:$0x10100] =	vst v63  }
0xb3: {  	_ = 	snop  }
0xb4: {  	[hbm4b:s6+s3] =	stream.indirect_vreg.scatter [tilespmem:s26], [sflag:$0x2], $0x80, v3, vm0, $0xb8;
	[tilespmem:$0x10100] =	vst v63  }
0xb5: {  	v3 =	vld [tilespmem:$0xA0];
	_ =	sdelay $0x4  }
0xb6: {  	v58 =	vshll.u32 v3, $0x2  }
0xb7: {  	v3 =	vand.u32 $0x7, v3;
	v4 =	vand.u32 $0xFFFFFFE0, v58  }
0xb8: {  	v3 =	vor.u32 v3, v4  }
0xb9: {  	v4 =	vperm.xlane v3, v0;
	_ =	sdelay $0x1  }
0xba: {  	v4 =	vadd.s32 v1, v4;
	_ =	sdelay $0x1  }
0xbb: {  	v3 =	vperm.xlane v3, v2;
	_ =	sdelay $0x1  }
0xbc: {  	v3 =	vadd.s32 v1, v3  }
0xbd: {  	[hbm4b:s4+s3] =	stream.indirect_vreg.scatter [tilespmem:s28], [sflag:$0x2], $0x80, v4, vm0, $0xb8;
	[tilespmem:$0x10100] =	vst v63  }
0xbe: {  	_ = 	snop  }
0xbf: {  	[hbm4b:s6+s3] =	stream.indirect_vreg.scatter [tilespmem:s29], [sflag:$0x2], $0x80, v4, vm0, $0xb8;
	[tilespmem:$0x10100] =	vst v63  }
0xc0: {  	_ = 	snop  }
0xc1: {  	[hbm4b:s4+s3] =	stream.indirect_vreg.scatter [tilespmem:s30], [sflag:$0x2], $0x80, v3, vm0, $0xb8;
	[tilespmem:$0x10100] =	vst v63  }
0xc2: {  	_ = 	snop  }
0xc3: {  	[hbm4b:s6+s3] =	stream.indirect_vreg.scatter [tilespmem:s31], [sflag:$0x2], $0x80, v3, vm0, $0xb8;
	[tilespmem:$0x10100] =	vst v63  }
0xc4: {  	v3 =	vld [tilespmem:$0xB0];
	_ =	sdelay $0x4  }
0xc5: {  	v59 =	vshll.u32 v3, $0x2  }
0xc6: {  	v3 =	vand.u32 $0x7, v3;
	v4 =	vand.u32 $0xFFFFFFE0, v59  }
0xc7: {  	v3 =	vor.u32 v3, v4  }
0xc8: {  	v4 =	vperm.xlane v3, v0;
	_ =	sdelay $0x1  }
0xc9: {  	v4 =	vadd.s32 v1, v4;
	_ =	sdelay $0x1  }
0xca: {  	v3 =	vperm.xlane v3, v2;
	_ =	sdelay $0x1  }
0xcb: {  	s20 =	simm.s32 $0x6100;
	v3 =	vadd.s32 v1, v3  }
0xcc: {  	[hbm4b:s4+s3] =	stream.indirect_vreg.scatter [tilespmem:s20], [sflag:$0x2], $0x80, v4, vm0, $0xb8;
	[tilespmem:$0x10100] =	vst v63  }
0xcd: {  	_ = 	snop  }
0xce: {  	[hbm4b:s6+s3] =	stream.indirect_vreg.scatter [tilespmem:s1], [sflag:$0x2], $0x80, v4, vm0, $0xb8;
	[tilespmem:$0x10100] =	vst v63  }
0xcf: {  	_ = 	snop  }
0xd0: {  	[hbm4b:s4+s3] =	stream.indirect_vreg.scatter [tilespmem:s9], [sflag:$0x2], $0x80, v3, vm0, $0xb8;
	[tilespmem:$0x10100] =	vst v63  }
0xd1: {  	_ = 	snop  }
0xd2: {  	[hbm4b:s6+s3] =	stream.indirect_vreg.scatter [tilespmem:s10], [sflag:$0x2], $0x80, v3, vm0, $0xb8;
	[tilespmem:$0x10100] =	vst v63  }
0xd3: {  	v3 =	vld [tilespmem:$0xC0];
	_ =	sdelay $0x4  }
0xd4: {  	v60 =	vshll.u32 v3, $0x2  }
0xd5: {  	v3 =	vand.u32 $0x7, v3;
	v4 =	vand.u32 $0xFFFFFFE0, v60  }
0xd6: {  	v3 =	vor.u32 v3, v4  }
0xd7: {  	v4 =	vperm.xlane v3, v0;
	_ =	sdelay $0x1  }
0xd8: {  	v4 =	vadd.s32 v1, v4;
	_ =	sdelay $0x1  }
0xd9: {  	v3 =	vperm.xlane v3, v2;
	_ =	sdelay $0x1  }
0xda: {  	v3 =	vadd.s32 v1, v3  }
0xdb: {  	[hbm4b:s4+s3] =	stream.indirect_vreg.scatter [tilespmem:s11], [sflag:$0x2], $0x80, v4, vm0, $0xb8;
	[tilespmem:$0x10100] =	vst v63  }
0xdc: {  	_ = 	snop  }
0xdd: {  	[hbm4b:s6+s3] =	stream.indirect_vreg.scatter [tilespmem:s12], [sflag:$0x2], $0x80, v4, vm0, $0xb8;
	[tilespmem:$0x10100] =	vst v63  }
0xde: {  	_ = 	snop  }
0xdf: {  	[hbm4b:s4+s3] =	stream.indirect_vreg.scatter [tilespmem:s13], [sflag:$0x2], $0x80, v3, vm0, $0xb8;
	[tilespmem:$0x10100] =	vst v63  }
0xe0: {  	_ = 	snop  }
0xe1: {  	[hbm4b:s6+s3] =	stream.indirect_vreg.scatter [tilespmem:s14], [sflag:$0x2], $0x80, v3, vm0, $0xb8;
	[tilespmem:$0x10100] =	vst v63  }
0xe2: {  	v3 =	vld [tilespmem:$0xD0];
	_ =	sdelay $0x4  }
0xe3: {  	v61 =	vshll.u32 v3, $0x2  }
0xe4: {  	v3 =	vand.u32 $0x7, v3;
	v4 =	vand.u32 $0xFFFFFFE0, v61  }
0xe5: {  	v3 =	vor.u32 v3, v4  }
0xe6: {  	v4 =	vperm.xlane v3, v0;
	_ =	sdelay $0x1  }
0xe7: {  	v4 =	vadd.s32 v1, v4;
	_ =	sdelay $0x1  }
0xe8: {  	v3 =	vperm.xlane v3, v2;
	_ =	sdelay $0x1  }
0xe9: {  	v3 =	vadd.s32 v1, v3  }
0xea: {  	[hbm4b:s4+s3] =	stream.indirect_vreg.scatter [tilespmem:s15], [sflag:$0x2], $0x80, v4, vm0, $0xb8;
	[tilespmem:$0x10100] =	vst v63  }
0xeb: {  	_ = 	snop  }
0xec: {  	[hbm4b:s6+s3] =	stream.indirect_vreg.scatter [tilespmem:s16], [sflag:$0x2], $0x80, v4, vm0, $0xb8;
	[tilespmem:$0x10100] =	vst v63  }
0xed: {  	_ = 	snop  }
0xee: {  	[hbm4b:s4+s3] =	stream.indirect_vreg.scatter [tilespmem:s17], [sflag:$0x2], $0x80, v3, vm0, $0xb8;
	[tilespmem:$0x10100] =	vst v63  }
0xef: {  	_ = 	snop  }
0xf0: {  	[hbm4b:s6+s3] =	stream.indirect_vreg.scatter [tilespmem:s18], [sflag:$0x2], $0x80, v3, vm0, $0xb8;
	[tilespmem:$0x10100] =	vst v63  }
0xf1: {  	v3 =	vld [tilespmem:$0xE0];
	_ =	sdelay $0x4  }
0xf2: {  	v62 =	vshll.u32 v3, $0x2  }
0xf3: {  	v3 =	vand.u32 $0x7, v3;
	v4 =	vand.u32 $0xFFFFFFE0, v62  }
0xf4: {  	v3 =	vor.u32 v3, v4  }
0xf5: {  	v4 =	vperm.xlane v3, v0;
	_ =	sdelay $0x1  }
0xf6: {  	v4 =	vadd.s32 v1, v4;
	_ =	sdelay $0x1  }
0xf7: {  	v3 =	vperm.xlane v3, v2;
	_ =	sdelay $0x1  }
0xf8: {  	v3 =	vadd.s32 v1, v3  }
0xf9: {  	[hbm4b:s4+s3] =	stream.indirect_vreg.scatter [tilespmem:s8], [sflag:$0x2], $0x80, v4, vm0, $0xb8;
	[tilespmem:$0x10100] =	vst v63  }
0xfa: {  	s19 =	simm.s32 $0xC900  }
0xfb: {  	[hbm4b:s6+s3] =	stream.indirect_vreg.scatter [tilespmem:s19], [sflag:$0x2], $0x80, v4, vm0, $0xb8;
	[tilespmem:$0x10100] =	vst v63  }
0xfc: {  	s20 =	simm.s32 $0xD100  }
0xfd: {  	[hbm4b:s4+s3] =	stream.indirect_vreg.scatter [tilespmem:s20], [sflag:$0x2], $0x80, v3, vm0, $0xb8;
	[tilespmem:$0x10100] =	vst v63  }
0xfe: {  	s19 =	simm.s32 $0xD900  }
0xff: {  	[hbm4b:s6+s3] =	stream.indirect_vreg.scatter [tilespmem:s19], [sflag:$0x2], $0x80, v3, vm0, $0xb8;
	[tilespmem:$0x10100] =	vst v63  }
0x100: {  	v3 =	vld [tilespmem:$0xF0];
	_ =	sdelay $0x4  }
0x101: {  	v63 =	vshll.u32 v3, $0x2  }
0x102: {  	v3 =	vand.u32 $0x7, v3;
	v4 =	vand.u32 $0xFFFFFFE0, v63  }
0x103: {  	v3 =	vor.u32 v3, v4  }
0x104: {  	v4 =	vperm.xlane v3, v0;
	_ =	sdelay $0x1  }
0x105: {  	v4 =	vadd.s32 v1, v4;
	_ =	sdelay $0x1  }
0x106: {  	v3 =	vperm.xlane v3, v2;
	_ =	sdelay $0x1  }
0x107: {  	s20 =	simm.s32 $0xE100;
	v3 =	vadd.s32 v1, v3  }
0x108: {  	[hbm4b:s4+s3] =	stream.indirect_vreg.scatter [tilespmem:s20], [sflag:$0x2], $0x80, v4, vm0, $0xb8;
	[tilespmem:$0x10100] =	vst v63  }
0x109: {  	s19 =	simm.s32 $0xE900  }
0x10a: {  	[hbm4b:s6+s3] =	stream.indirect_vreg.scatter [tilespmem:s19], [sflag:$0x2], $0x80, v4, vm0, $0xb8;
	[tilespmem:$0x10100] =	vst v63  }
0x10b: {  	p0 =	sne.s32 s7, $0x1;
	s20 =	simm.s32 $0xF100  }
0x10c: {  	[hbm4b:s4+s3] =	stream.indirect_vreg.scatter [tilespmem:s20], [sflag:$0x2], $0x80, v3, vm0, $0xb8;
	[tilespmem:$0x10100] =	vst v63  }
.Ltmp0:
0x10d: {  	s19 =	simm.s32 $0xF900;
	s20 =	simm.s32 $0x2;
	(pc) =	sbr.rel @p0 .LBB2_1-.Ltmp0, $4  }
0x10e: {  	[hbm4b:s6+s3] =	stream.indirect_vreg.scatter [tilespmem:s19], [sflag:$0x2], $0x80, v3, vm0, $0xb8;
	[tilespmem:$0x10100] =	vst v63  }
0x10f: {  	_ =	swait.ge [sflag:s20], $0x10000  }
0x110: {  	[sflag:s20] =	ssyncset.done $0x0  }
0x111: {  	s7 =	sadd.s32 $0xFFFFFFFF, s7;
	[sflag:s20] =	ssyncadd.s32 $0xFFFF0000  }
0x112: {  	_ =	sfence.sel $0x180000  }
0x113: {  	[bflag:$0x0] =	sbarrier.arrive $0xFFFF  }
0x114: {  	_ =	strace $0x90000047  }
0x115: {  	s0 =	stileid.u32;
	[bflag:$0x2] =	sbarrier.arrive $0xFFFF  }
0x116: {  	p0 =	sne.s32 s0, $0x0;
	s0 =	rddreg [dreg:$0x2]  }
0x117: {  	s0 =	sadd.s32 @!p0 $0x100000, s0  }
0x118: {  	[sflag:s0] =	ssyncadd.tile.s32 @!p0 $0x1;
	_ =	shalt  }
.Lfunc_end2:
_tile_overlayer_lowered:
.L_overlay_start_2:
0x119: {  	(tag) =	ssettag $0x2  }
0x11a: {  	s0 =	rddreg [dreg:$0x0];
	s2 =	stileid.u32  }
0x11b: {  	s1 =	rddreg [dreg:$0x1];
	p0 =	sne.s32 s2, $0x0  }
0x11c: {  	s3 =	rddreg [dreg:$0x2];
	[bflag:$0x3] =	sbarrier.arrive $0xFFFF;
	s2 =	simm.s32 @!p0 $0x1C03  }
0x11d: {  	[timem:s3], [sflag:s2] =	dma.local @!p0 [hbm:s0], s1  }
0x11e: {  	s0 =	simm.s32 @!p0 $0x3  }
0x11f: {  	_ =	swait.ge @!p0 [sflag:s0], s1  }
0x120: {  	s1 =	ssub.s32 @!p0 $0x0, s1;
	[sflag:s0] =	ssyncset.done @!p0 $0x0  }
0x121: {  	[sflag:s0] =	ssyncadd.s32 @!p0 s1  }
0x122: {  	[bflag:$0x3] =	sbarrier.arrive $0xFFFF  }
0x123: {  	_ =	shalt  }

</sc_bundles>
